<compile_context>
chip_gen: v7x
topology: tpu7x:2x2x1
jax: 0.10.2.dev20260603
libtpu: 0.0.44.dev20260713+nightly
codegen_flags: <defaults>
</compile_context>

<pallas_src>
import functools

import jax
import jax.numpy as jnp
from jax import lax
from jax.experimental import pallas as pl
from jax.experimental.pallas import tpu as pltpu
from jax.experimental.pallas import tpu_sc as plsc

HIDDEN = 64


def _make_gather(N, D, C, NB):
    info = plsc.get_sparse_core_info()
    NC, NS = info.num_cores, info.num_subcores
    NW = NC * NS
    b_per_w = N // NW
    n_chunks = b_per_w // C
    n_groups = n_chunks // NB
    assert N % NW == 0 and b_per_w % C == 0 and n_chunks % NB == 0
    assert n_groups >= 2
    mesh = plsc.VectorSubcoreMesh(core_axis_name="c", subcore_axis_name="s")

    @functools.partial(
        pl.kernel,
        mesh=mesh,
        out_type=jax.ShapeDtypeStruct((N, 128), jnp.float32),
        scratch_types=[
            pltpu.VMEM((b_per_w,), jnp.int32),
            pltpu.VMEM((NB * C, D), jnp.float32),
        ]
        + [pltpu.SemaphoreType.DMA] * (2 * NB),
        compiler_params=pltpu.CompilerParams(use_tc_tiling_on_sc=False),
    )
    def k(idx_hbm, table_hbm, out_hbm, idx_v, rows_v, *sems):
        gsems, wsems = sems[:NB], sems[NB:]
        wid = lax.axis_index("s") * NC + lax.axis_index("c")
        base = wid * b_per_w
        pltpu.sync_copy(idx_hbm.at[pl.ds(base, b_per_w)], idx_v)

        def fire_gather(i, b):
            pltpu.async_copy(
                table_hbm.at[idx_v.at[pl.ds(i * C, C)]],
                rows_v.at[pl.ds(b * C, C)],
                gsems[b],
            )

        def fire_write(i, b):
            pltpu.async_copy(
                rows_v.at[pl.ds(b * C, C)],
                out_hbm.at[pl.ds(base + i * C, C), pl.ds(0, D)],
                wsems[b],
            )

        def wait(sem, b):
            pltpu.make_async_copy(
                table_hbm.at[pl.ds(0, C)], rows_v.at[pl.ds(b * C, C)], sem
            ).wait()

        for b in range(NB):
            fire_gather(b, b)

        def body(g, carry):
            i0 = g * NB
            for b in range(NB):
                wait(gsems[b], b)
                fire_write(i0 + b, b)
            for b in range(NB):
                wait(wsems[b], b)
                fire_gather(i0 + NB + b, b)
            return carry

        lax.fori_loop(0, n_groups - 1, body, 0)

        i0 = (n_groups - 1) * NB
        for b in range(NB):
            wait(gsems[b], b)
            fire_write(i0 + b, b)
        for b in range(NB):
            wait(wsems[b], b)

    return k


def kernel(x, table):
    B, L = x.shape
    N = B * L
    idx = x.reshape(N).astype(jnp.int32)
    out = _make_gather(N, HIDDEN, 256, 5)(idx, table)
    return lax.slice(out, (0, 0), (N, HIDDEN)).reshape(B, L, HIDDEN)

# --- scband reference (transcript-rebuilt; emitter-appended) ---
"""Pipeline reference for scband-module-factory-44959717655215 (READ-ONLY COPY).

The authoritative reference and input builder live on the scoring server;
editing this copy changes nothing except your own understanding.
"""

import jax, jax.numpy as jnp
import numpy as np

VOCAB = 100000
HIDDEN = 64
B = 4096
L = 200

def setup_inputs(seed: int = 0) -> dict:
    key = jax.random.key(seed)
    k_idx, k_tab = jax.random.split(key)
    x = jax.random.randint(k_idx, (B, L), 0, VOCAB, dtype=jnp.int64 if jax.config.jax_enable_x64 else jnp.int32)
    table = jax.random.normal(k_tab, (VOCAB, HIDDEN), dtype=jnp.float32) * (1.0 / np.sqrt(HIDDEN))
    return {"x": x, "table": table}

def reference(x, table):
    # ModuleFactory with module_type='embedding':
    # needs_casting=False, unfold_input=False, not freq transform / embedding_bag,
    # so forward reduces to a plain nn.Embedding lookup: out[b, l, :] = table[x[b, l], :]
    out = jnp.take(table, x, axis=0)
    return out

if __name__ == "__main__":
    import jax
    _d = setup_inputs()
    print(jax.jit(kernel)(*tuple(_d.values())))

</pallas_src>

<mosaic_0001>
#map = affine_map<(d0, d1) -> (0)>
#map1 = affine_map<(d0, d1) -> (0, 0)>
module attributes {stable_mosaic.version = 14 : i64} {
  func.func @k(%arg0: i32, %arg1: i32, %arg2: memref<819200xi32, #tpu.memory_space<hbm>>, %arg3: memref<100000x64xf32, #tpu.memory_space<hbm>>, %arg4: memref<819200x128xf32, #tpu.memory_space<hbm>>, %arg5: memref<25600xi32, #tpu.memory_space<vmem>>, %arg6: memref<1280x64xf32, #tpu.memory_space<vmem>>, %arg7: memref<!tpu.dma_semaphore, #tpu.memory_space<semaphore_mem>>, %arg8: memref<!tpu.dma_semaphore, #tpu.memory_space<semaphore_mem>>, %arg9: memref<!tpu.dma_semaphore, #tpu.memory_space<semaphore_mem>>, %arg10: memref<!tpu.dma_semaphore, #tpu.memory_space<semaphore_mem>>, %arg11: memref<!tpu.dma_semaphore, #tpu.memory_space<semaphore_mem>>, %arg12: memref<!tpu.dma_semaphore, #tpu.memory_space<semaphore_mem>>, %arg13: memref<!tpu.dma_semaphore, #tpu.memory_space<semaphore_mem>>, %arg14: memref<!tpu.dma_semaphore, #tpu.memory_space<semaphore_mem>>, %arg15: memref<!tpu.dma_semaphore, #tpu.memory_space<semaphore_mem>>, %arg16: memref<!tpu.dma_semaphore, #tpu.memory_space<semaphore_mem>>) attributes {dimension_semantics = [#tpu.dimension_semantics<core_parallel>, #tpu.dimension_semantics<subcore_parallel>], iteration_bounds = array<i64: 2, 16>, scalar_prefetch = 0 : i64, scratch_operands = 12 : i64, tpu.core_type = #tpu.core_type<sc_vector_subcore>, window_params = [{transform_indices = #map}, {transform_indices = #map1}, {transform_indices = #map1}]} {
    %mul3A = arith.constant 2 : i32
    %mul3A_0 = arith.muli %arg1, %mul3A : i32
    %add3A = arith.addi %mul3A_0, %arg0 : i32
    %mul3A_1 = arith.constant 25600 : i32
    %mul3A_2 = arith.muli %add3A, %mul3A_1 : i32
    "tpu.region"() ({
      %run_scoped3A = tpu.sem_alloc : memref<!tpu.dma_semaphore, #tpu.memory_space<semaphore_mem>>
      %dma_start3A_226 = tpu.memref_slice %arg2[%mul3A_2] : memref<819200xi32, #tpu.memory_space<hbm>> -> memref<25600xi32, #tpu.memory_space<hbm>>
      %dma_start3A_227 = tpu.memref_slice %arg2[%mul3A_2] : memref<819200xi32, #tpu.memory_space<hbm>> -> memref<25600xi32, #tpu.memory_space<hbm>>
      tpu.enqueue_dma source(%dma_start3A_227 : memref<25600xi32, #tpu.memory_space<hbm>>) target(%arg5 : memref<25600xi32, #tpu.memory_space<vmem>>) target_semaphore(%run_scoped3A : memref<!tpu.dma_semaphore, #tpu.memory_space<semaphore_mem>>)
      %dma_wait3A_228 = tpu.memref_slice %arg2[%mul3A_2] : memref<819200xi32, #tpu.memory_space<hbm>> -> memref<25600xi32, #tpu.memory_space<hbm>>
      %dma_wait3A_229 = tpu.memref_slice %arg2[%mul3A_2] : memref<819200xi32, #tpu.memory_space<hbm>> -> memref<25600xi32, #tpu.memory_space<hbm>>
      tpu.wait_dma2 semaphore(%run_scoped3A : memref<!tpu.dma_semaphore, #tpu.memory_space<semaphore_mem>>) src(%dma_wait3A_229 : memref<25600xi32, #tpu.memory_space<hbm>>) dst(%arg5 : memref<25600xi32, #tpu.memory_space<vmem>>)
      tpu.yield
    }) : () -> ()
    %dma_start3A = arith.constant 0 : i32
    %dma_start3A_3 = arith.constant 0 : i32
    %dma_start3A_4 = tpu.memref_slice %arg6[%dma_start3A, %dma_start3A_3] : memref<1280x64xf32, #tpu.memory_space<vmem>> -> memref<256x64xf32, #tpu.memory_space<vmem>>
    %dma_start3A_5 = arith.constant 0 : i32
    %dma_start3A_6 = tpu.memref_slice %arg5[%dma_start3A_5] : memref<25600xi32, #tpu.memory_space<vmem>> -> memref<256xi32, #tpu.memory_space<vmem>>
    %dma_start3A_7 = arith.constant 0 : i32
    %dma_start3A_8 = arith.constant 0 : i32
    %dma_start3A_9 = tpu.memref_slice %arg3[%dma_start3A_7, %dma_start3A_8] : memref<100000x64xf32, #tpu.memory_space<hbm>> -> memref<100000x64xf32, #tpu.memory_space<hbm>>
    tpu.enqueue_indirect_dma source(%dma_start3A_9 : memref<100000x64xf32, #tpu.memory_space<hbm>>) target(%dma_start3A_4 : memref<256x64xf32, #tpu.memory_space<vmem>>) offsets(%dma_start3A_6 : memref<256xi32, #tpu.memory_space<vmem>>) semaphore(%arg7 : memref<!tpu.dma_semaphore, #tpu.memory_space<semaphore_mem>>)
    %dma_start3A_10 = arith.constant 256 : i32
    %dma_start3A_11 = arith.constant 0 : i32
    %dma_start3A_12 = tpu.memref_slice %arg6[%dma_start3A_10, %dma_start3A_11] : memref<1280x64xf32, #tpu.memory_space<vmem>> -> memref<256x64xf32, #tpu.memory_space<vmem>>
    %dma_start3A_13 = arith.constant 256 : i32
    %dma_start3A_14 = tpu.memref_slice %arg5[%dma_start3A_13] : memref<25600xi32, #tpu.memory_space<vmem>> -> memref<256xi32, #tpu.memory_space<vmem>>
    %dma_start3A_15 = arith.constant 0 : i32
    %dma_start3A_16 = arith.constant 0 : i32
    %dma_start3A_17 = tpu.memref_slice %arg3[%dma_start3A_15, %dma_start3A_16] : memref<100000x64xf32, #tpu.memory_space<hbm>> -> memref<100000x64xf32, #tpu.memory_space<hbm>>
    tpu.enqueue_indirect_dma source(%dma_start3A_17 : memref<100000x64xf32, #tpu.memory_space<hbm>>) target(%dma_start3A_12 : memref<256x64xf32, #tpu.memory_space<vmem>>) offsets(%dma_start3A_14 : memref<256xi32, #tpu.memory_space<vmem>>) semaphore(%arg8 : memref<!tpu.dma_semaphore, #tpu.memory_space<semaphore_mem>>)
    %dma_start3A_18 = arith.constant 512 : i32
    %dma_start3A_19 = arith.constant 0 : i32
    %dma_start3A_20 = tpu.memref_slice %arg6[%dma_start3A_18, %dma_start3A_19] : memref<1280x64xf32, #tpu.memory_space<vmem>> -> memref<256x64xf32, #tpu.memory_space<vmem>>
    %dma_start3A_21 = arith.constant 512 : i32
    %dma_start3A_22 = tpu.memref_slice %arg5[%dma_start3A_21] : memref<25600xi32, #tpu.memory_space<vmem>> -> memref<256xi32, #tpu.memory_space<vmem>>
    %dma_start3A_23 = arith.constant 0 : i32
    %dma_start3A_24 = arith.constant 0 : i32
    %dma_start3A_25 = tpu.memref_slice %arg3[%dma_start3A_23, %dma_start3A_24] : memref<100000x64xf32, #tpu.memory_space<hbm>> -> memref<100000x64xf32, #tpu.memory_space<hbm>>
    tpu.enqueue_indirect_dma source(%dma_start3A_25 : memref<100000x64xf32, #tpu.memory_space<hbm>>) target(%dma_start3A_20 : memref<256x64xf32, #tpu.memory_space<vmem>>) offsets(%dma_start3A_22 : memref<256xi32, #tpu.memory_space<vmem>>) semaphore(%arg9 : memref<!tpu.dma_semaphore, #tpu.memory_space<semaphore_mem>>)
    %dma_start3A_26 = arith.constant 768 : i32
    %dma_start3A_27 = arith.constant 0 : i32
    %dma_start3A_28 = tpu.memref_slice %arg6[%dma_start3A_26, %dma_start3A_27] : memref<1280x64xf32, #tpu.memory_space<vmem>> -> memref<256x64xf32, #tpu.memory_space<vmem>>
    %dma_start3A_29 = arith.constant 768 : i32
    %dma_start3A_30 = tpu.memref_slice %arg5[%dma_start3A_29] : memref<25600xi32, #tpu.memory_space<vmem>> -> memref<256xi32, #tpu.memory_space<vmem>>
    %dma_start3A_31 = arith.constant 0 : i32
    %dma_start3A_32 = arith.constant 0 : i32
    %dma_start3A_33 = tpu.memref_slice %arg3[%dma_start3A_31, %dma_start3A_32] : memref<100000x64xf32, #tpu.memory_space<hbm>> -> memref<100000x64xf32, #tpu.memory_space<hbm>>
    tpu.enqueue_indirect_dma source(%dma_start3A_33 : memref<100000x64xf32, #tpu.memory_space<hbm>>) target(%dma_start3A_28 : memref<256x64xf32, #tpu.memory_space<vmem>>) offsets(%dma_start3A_30 : memref<256xi32, #tpu.memory_space<vmem>>) semaphore(%arg10 : memref<!tpu.dma_semaphore, #tpu.memory_space<semaphore_mem>>)
    %dma_start3A_34 = arith.constant 1024 : i32
    %dma_start3A_35 = arith.constant 0 : i32
    %dma_start3A_36 = tpu.memref_slice %arg6[%dma_start3A_34, %dma_start3A_35] : memref<1280x64xf32, #tpu.memory_space<vmem>> -> memref<256x64xf32, #tpu.memory_space<vmem>>
    %dma_start3A_37 = arith.constant 1024 : i32
    %dma_start3A_38 = tpu.memref_slice %arg5[%dma_start3A_37] : memref<25600xi32, #tpu.memory_space<vmem>> -> memref<256xi32, #tpu.memory_space<vmem>>
    %dma_start3A_39 = arith.constant 0 : i32
    %dma_start3A_40 = arith.constant 0 : i32
    %dma_start3A_41 = tpu.memref_slice %arg3[%dma_start3A_39, %dma_start3A_40] : memref<100000x64xf32, #tpu.memory_space<hbm>> -> memref<100000x64xf32, #tpu.memory_space<hbm>>
    tpu.enqueue_indirect_dma source(%dma_start3A_41 : memref<100000x64xf32, #tpu.memory_space<hbm>>) target(%dma_start3A_36 : memref<256x64xf32, #tpu.memory_space<vmem>>) offsets(%dma_start3A_38 : memref<256xi32, #tpu.memory_space<vmem>>) semaphore(%arg11 : memref<!tpu.dma_semaphore, #tpu.memory_space<semaphore_mem>>)
    %scan3A = arith.constant 0 : i32
    %scan3A_42 = arith.constant 0 : i32
    %scan3A_43 = arith.constant 19 : i32
    %scan3A_44 = arith.addi %scan3A_42, %scan3A_43 : i32
    %scan3A_45 = arith.constant 1 : i32
    scf.for %scan3A_226 = %scan3A_42 to %scan3A_44 step %scan3A_45  : i32 {
      %mul3A_227 = arith.constant 5 : i32
      %mul3A_228 = arith.muli %scan3A_226, %mul3A_227 : i32
      %dma_wait3A_229 = arith.constant 0 : i32
      %dma_wait3A_230 = arith.constant 0 : i32
      %dma_wait3A_231 = tpu.memref_slice %arg6[%dma_wait3A_229, %dma_wait3A_230] : memref<1280x64xf32, #tpu.memory_space<vmem>> -> memref<256x64xf32, #tpu.memory_space<vmem>>
      %dma_wait3A_232 = arith.constant 0 : i32
      %dma_wait3A_233 = arith.constant 0 : i32
      %dma_wait3A_234 = tpu.memref_slice %arg3[%dma_wait3A_232, %dma_wait3A_233] : memref<100000x64xf32, #tpu.memory_space<hbm>> -> memref<256x64xf32, #tpu.memory_space<hbm>>
      %dma_wait3A_235 = arith.constant 0 : i32
      %dma_wait3A_236 = arith.constant 0 : i32
      %dma_wait3A_237 = tpu.memref_slice %arg6[%dma_wait3A_235, %dma_wait3A_236] : memref<1280x64xf32, #tpu.memory_space<vmem>> -> memref<256x64xf32, #tpu.memory_space<vmem>>
      %dma_wait3A_238 = arith.constant 0 : i32
      %dma_wait3A_239 = arith.constant 0 : i32
      %dma_wait3A_240 = tpu.memref_slice %arg3[%dma_wait3A_238, %dma_wait3A_239] : memref<100000x64xf32, #tpu.memory_space<hbm>> -> memref<256x64xf32, #tpu.memory_space<hbm>>
      tpu.wait_dma2 semaphore(%arg7 : memref<!tpu.dma_semaphore, #tpu.memory_space<semaphore_mem>>) src(%dma_wait3A_240 : memref<256x64xf32, #tpu.memory_space<hbm>>) dst(%dma_wait3A_237 : memref<256x64xf32, #tpu.memory_space<vmem>>)
      %add3A_241 = arith.constant 0 : i32
      %add3A_242 = arith.addi %mul3A_228, %add3A_241 : i32
      %mul3A_243 = arith.constant 256 : i32
      %mul3A_244 = arith.muli %add3A_242, %mul3A_243 : i32
      %add3A_245 = arith.addi %mul3A_2, %mul3A_244 : i32
      %dma_start3A_246 = arith.constant 0 : i32
      %dma_start3A_247 = arith.constant 0 : i32
      %dma_start3A_248 = tpu.memref_slice %arg6[%dma_start3A_246, %dma_start3A_247] : memref<1280x64xf32, #tpu.memory_space<vmem>> -> memref<256x64xf32, #tpu.memory_space<vmem>>
      %dma_start3A_249 = arith.constant 0 : i32
      %dma_start3A_250 = tpu.memref_slice %arg4[%add3A_245, %dma_start3A_249] : memref<819200x128xf32, #tpu.memory_space<hbm>> -> memref<256x64xf32, #tpu.memory_space<hbm>>
      %dma_start3A_251 = arith.constant 0 : i32
      %dma_start3A_252 = tpu.memref_slice %arg4[%add3A_245, %dma_start3A_251] : memref<819200x128xf32, #tpu.memory_space<hbm>> -> memref<256x64xf32, #tpu.memory_space<hbm>>
      %dma_start3A_253 = arith.constant 0 : i32
      %dma_start3A_254 = arith.constant 0 : i32
      %dma_start3A_255 = tpu.memref_slice %arg6[%dma_start3A_253, %dma_start3A_254] : memref<1280x64xf32, #tpu.memory_space<vmem>> -> memref<256x64xf32, #tpu.memory_space<vmem>>
      tpu.enqueue_dma source(%dma_start3A_255 : memref<256x64xf32, #tpu.memory_space<vmem>>) target(%dma_start3A_252 : memref<256x64xf32, #tpu.memory_space<hbm>>) target_semaphore(%arg12 : memref<!tpu.dma_semaphore, #tpu.memory_space<semaphore_mem>>)
      %dma_wait3A_256 = arith.constant 256 : i32
      %dma_wait3A_257 = arith.constant 0 : i32
      %dma_wait3A_258 = tpu.memref_slice %arg6[%dma_wait3A_256, %dma_wait3A_257] : memref<1280x64xf32, #tpu.memory_space<vmem>> -> memref<256x64xf32, #tpu.memory_space<vmem>>
      %dma_wait3A_259 = arith.constant 0 : i32
      %dma_wait3A_260 = arith.constant 0 : i32
      %dma_wait3A_261 = tpu.memref_slice %arg3[%dma_wait3A_259, %dma_wait3A_260] : memref<100000x64xf32, #tpu.memory_space<hbm>> -> memref<256x64xf32, #tpu.memory_space<hbm>>
      %dma_wait3A_262 = arith.constant 256 : i32
      %dma_wait3A_263 = arith.constant 0 : i32
      %dma_wait3A_264 = tpu.memref_slice %arg6[%dma_wait3A_262, %dma_wait3A_263] : memref<1280x64xf32, #tpu.memory_space<vmem>> -> memref<256x64xf32, #tpu.memory_space<vmem>>
      %dma_wait3A_265 = arith.constant 0 : i32
      %dma_wait3A_266 = arith.constant 0 : i32
      %dma_wait3A_267 = tpu.memref_slice %arg3[%dma_wait3A_265, %dma_wait3A_266] : memref<100000x64xf32, #tpu.memory_space<hbm>> -> memref<256x64xf32, #tpu.memory_space<hbm>>
      tpu.wait_dma2 semaphore(%arg8 : memref<!tpu.dma_semaphore, #tpu.memory_space<semaphore_mem>>) src(%dma_wait3A_267 : memref<256x64xf32, #tpu.memory_space<hbm>>) dst(%dma_wait3A_264 : memref<256x64xf32, #tpu.memory_space<vmem>>)
      %add3A_268 = arith.constant 1 : i32
      %add3A_269 = arith.addi %mul3A_228, %add3A_268 : i32
      %mul3A_270 = arith.constant 256 : i32
      %mul3A_271 = arith.muli %add3A_269, %mul3A_270 : i32
      %add3A_272 = arith.addi %mul3A_2, %mul3A_271 : i32
      %dma_start3A_273 = arith.constant 256 : i32
      %dma_start3A_274 = arith.constant 0 : i32
      %dma_start3A_275 = tpu.memref_slice %arg6[%dma_start3A_273, %dma_start3A_274] : memref<1280x64xf32, #tpu.memory_space<vmem>> -> memref<256x64xf32, #tpu.memory_space<vmem>>
      %dma_start3A_276 = arith.constant 0 : i32
      %dma_start3A_277 = tpu.memref_slice %arg4[%add3A_272, %dma_start3A_276] : memref<819200x128xf32, #tpu.memory_space<hbm>> -> memref<256x64xf32, #tpu.memory_space<hbm>>
      %dma_start3A_278 = arith.constant 0 : i32
      %dma_start3A_279 = tpu.memref_slice %arg4[%add3A_272, %dma_start3A_278] : memref<819200x128xf32, #tpu.memory_space<hbm>> -> memref<256x64xf32, #tpu.memory_space<hbm>>
      %dma_start3A_280 = arith.constant 256 : i32
      %dma_start3A_281 = arith.constant 0 : i32
      %dma_start3A_282 = tpu.memref_slice %arg6[%dma_start3A_280, %dma_start3A_281] : memref<1280x64xf32, #tpu.memory_space<vmem>> -> memref<256x64xf32, #tpu.memory_space<vmem>>
      tpu.enqueue_dma source(%dma_start3A_282 : memref<256x64xf32, #tpu.memory_space<vmem>>) target(%dma_start3A_279 : memref<256x64xf32, #tpu.memory_space<hbm>>) target_semaphore(%arg13 : memref<!tpu.dma_semaphore, #tpu.memory_space<semaphore_mem>>)
      %dma_wait3A_283 = arith.constant 512 : i32
      %dma_wait3A_284 = arith.constant 0 : i32
      %dma_wait3A_285 = tpu.memref_slice %arg6[%dma_wait3A_283, %dma_wait3A_284] : memref<1280x64xf32, #tpu.memory_space<vmem>> -> memref<256x64xf32, #tpu.memory_space<vmem>>
      %dma_wait3A_286 = arith.constant 0 : i32
      %dma_wait3A_287 = arith.constant 0 : i32
      %dma_wait3A_288 = tpu.memref_slice %arg3[%dma_wait3A_286, %dma_wait3A_287] : memref<100000x64xf32, #tpu.memory_space<hbm>> -> memref<256x64xf32, #tpu.memory_space<hbm>>
      %dma_wait3A_289 = arith.constant 512 : i32
      %dma_wait3A_290 = arith.constant 0 : i32
      %dma_wait3A_291 = tpu.memref_slice %arg6[%dma_wait3A_289, %dma_wait3A_290] : memref<1280x64xf32, #tpu.memory_space<vmem>> -> memref<256x64xf32, #tpu.memory_space<vmem>>
      %dma_wait3A_292 = arith.constant 0 : i32
      %dma_wait3A_293 = arith.constant 0 : i32
      %dma_wait3A_294 = tpu.memref_slice %arg3[%dma_wait3A_292, %dma_wait3A_293] : memref<100000x64xf32, #tpu.memory_space<hbm>> -> memref<256x64xf32, #tpu.memory_space<hbm>>
      tpu.wait_dma2 semaphore(%arg9 : memref<!tpu.dma_semaphore, #tpu.memory_space<semaphore_mem>>) src(%dma_wait3A_294 : memref<256x64xf32, #tpu.memory_space<hbm>>) dst(%dma_wait3A_291 : memref<256x64xf32, #tpu.memory_space<vmem>>)
      %add3A_295 = arith.constant 2 : i32
      %add3A_296 = arith.addi %mul3A_228, %add3A_295 : i32
      %mul3A_297 = arith.constant 256 : i32
      %mul3A_298 = arith.muli %add3A_296, %mul3A_297 : i32
      %add3A_299 = arith.addi %mul3A_2, %mul3A_298 : i32
      %dma_start3A_300 = arith.constant 512 : i32
      %dma_start3A_301 = arith.constant 0 : i32
      %dma_start3A_302 = tpu.memref_slice %arg6[%dma_start3A_300, %dma_start3A_301] : memref<1280x64xf32, #tpu.memory_space<vmem>> -> memref<256x64xf32, #tpu.memory_space<vmem>>
      %dma_start3A_303 = arith.constant 0 : i32
      %dma_start3A_304 = tpu.memref_slice %arg4[%add3A_299, %dma_start3A_303] : memref<819200x128xf32, #tpu.memory_space<hbm>> -> memref<256x64xf32, #tpu.memory_space<hbm>>
      %dma_start3A_305 = arith.constant 0 : i32
      %dma_start3A_306 = tpu.memref_slice %arg4[%add3A_299, %dma_start3A_305] : memref<819200x128xf32, #tpu.memory_space<hbm>> -> memref<256x64xf32, #tpu.memory_space<hbm>>
      %dma_start3A_307 = arith.constant 512 : i32
      %dma_start3A_308 = arith.constant 0 : i32
      %dma_start3A_309 = tpu.memref_slice %arg6[%dma_start3A_307, %dma_start3A_308] : memref<1280x64xf32, #tpu.memory_space<vmem>> -> memref<256x64xf32, #tpu.memory_space<vmem>>
      tpu.enqueue_dma source(%dma_start3A_309 : memref<256x64xf32, #tpu.memory_space<vmem>>) target(%dma_start3A_306 : memref<256x64xf32, #tpu.memory_space<hbm>>) target_semaphore(%arg14 : memref<!tpu.dma_semaphore, #tpu.memory_space<semaphore_mem>>)
      %dma_wait3A_310 = arith.constant 768 : i32
      %dma_wait3A_311 = arith.constant 0 : i32
      %dma_wait3A_312 = tpu.memref_slice %arg6[%dma_wait3A_310, %dma_wait3A_311] : memref<1280x64xf32, #tpu.memory_space<vmem>> -> memref<256x64xf32, #tpu.memory_space<vmem>>
      %dma_wait3A_313 = arith.constant 0 : i32
      %dma_wait3A_314 = arith.constant 0 : i32
      %dma_wait3A_315 = tpu.memref_slice %arg3[%dma_wait3A_313, %dma_wait3A_314] : memref<100000x64xf32, #tpu.memory_space<hbm>> -> memref<256x64xf32, #tpu.memory_space<hbm>>
      %dma_wait3A_316 = arith.constant 768 : i32
      %dma_wait3A_317 = arith.constant 0 : i32
      %dma_wait3A_318 = tpu.memref_slice %arg6[%dma_wait3A_316, %dma_wait3A_317] : memref<1280x64xf32, #tpu.memory_space<vmem>> -> memref<256x64xf32, #tpu.memory_space<vmem>>
      %dma_wait3A_319 = arith.constant 0 : i32
      %dma_wait3A_320 = arith.constant 0 : i32
      %dma_wait3A_321 = tpu.memref_slice %arg3[%dma_wait3A_319, %dma_wait3A_320] : memref<100000x64xf32, #tpu.memory_space<hbm>> -> memref<256x64xf32, #tpu.memory_space<hbm>>
      tpu.wait_dma2 semaphore(%arg10 : memref<!tpu.dma_semaphore, #tpu.memory_space<semaphore_mem>>) src(%dma_wait3A_321 : memref<256x64xf32, #tpu.memory_space<hbm>>) dst(%dma_wait3A_318 : memref<256x64xf32, #tpu.memory_space<vmem>>)
      %add3A_322 = arith.constant 3 : i32
      %add3A_323 = arith.addi %mul3A_228, %add3A_322 : i32
      %mul3A_324 = arith.constant 256 : i32
      %mul3A_325 = arith.muli %add3A_323, %mul3A_324 : i32
      %add3A_326 = arith.addi %mul3A_2, %mul3A_325 : i32
      %dma_start3A_327 = arith.constant 768 : i32
      %dma_start3A_328 = arith.constant 0 : i32
      %dma_start3A_329 = tpu.memref_slice %arg6[%dma_start3A_327, %dma_start3A_328] : memref<1280x64xf32, #tpu.memory_space<vmem>> -> memref<256x64xf32, #tpu.memory_space<vmem>>
      %dma_start3A_330 = arith.constant 0 : i32
      %dma_start3A_331 = tpu.memref_slice %arg4[%add3A_326, %dma_start3A_330] : memref<819200x128xf32, #tpu.memory_space<hbm>> -> memref<256x64xf32, #tpu.memory_space<hbm>>
      %dma_start3A_332 = arith.constant 0 : i32
      %dma_start3A_333 = tpu.memref_slice %arg4[%add3A_326, %dma_start3A_332] : memref<819200x128xf32, #tpu.memory_space<hbm>> -> memref<256x64xf32, #tpu.memory_space<hbm>>
      %dma_start3A_334 = arith.constant 768 : i32
      %dma_start3A_335 = arith.constant 0 : i32
      %dma_start3A_336 = tpu.memref_slice %arg6[%dma_start3A_334, %dma_start3A_335] : memref<1280x64xf32, #tpu.memory_space<vmem>> -> memref<256x64xf32, #tpu.memory_space<vmem>>
      tpu.enqueue_dma source(%dma_start3A_336 : memref<256x64xf32, #tpu.memory_space<vmem>>) target(%dma_start3A_333 : memref<256x64xf32, #tpu.memory_space<hbm>>) target_semaphore(%arg15 : memref<!tpu.dma_semaphore, #tpu.memory_space<semaphore_mem>>)
      %dma_wait3A_337 = arith.constant 1024 : i32
      %dma_wait3A_338 = arith.constant 0 : i32
      %dma_wait3A_339 = tpu.memref_slice %arg6[%dma_wait3A_337, %dma_wait3A_338] : memref<1280x64xf32, #tpu.memory_space<vmem>> -> memref<256x64xf32, #tpu.memory_space<vmem>>
      %dma_wait3A_340 = arith.constant 0 : i32
      %dma_wait3A_341 = arith.constant 0 : i32
      %dma_wait3A_342 = tpu.memref_slice %arg3[%dma_wait3A_340, %dma_wait3A_341] : memref<100000x64xf32, #tpu.memory_space<hbm>> -> memref<256x64xf32, #tpu.memory_space<hbm>>
      %dma_wait3A_343 = arith.constant 1024 : i32
      %dma_wait3A_344 = arith.constant 0 : i32
      %dma_wait3A_345 = tpu.memref_slice %arg6[%dma_wait3A_343, %dma_wait3A_344] : memref<1280x64xf32, #tpu.memory_space<vmem>> -> memref<256x64xf32, #tpu.memory_space<vmem>>
      %dma_wait3A_346 = arith.constant 0 : i32
      %dma_wait3A_347 = arith.constant 0 : i32
      %dma_wait3A_348 = tpu.memref_slice %arg3[%dma_wait3A_346, %dma_wait3A_347] : memref<100000x64xf32, #tpu.memory_space<hbm>> -> memref<256x64xf32, #tpu.memory_space<hbm>>
      tpu.wait_dma2 semaphore(%arg11 : memref<!tpu.dma_semaphore, #tpu.memory_space<semaphore_mem>>) src(%dma_wait3A_348 : memref<256x64xf32, #tpu.memory_space<hbm>>) dst(%dma_wait3A_345 : memref<256x64xf32, #tpu.memory_space<vmem>>)
      %add3A_349 = arith.constant 4 : i32
      %add3A_350 = arith.addi %mul3A_228, %add3A_349 : i32
      %mul3A_351 = arith.constant 256 : i32
      %mul3A_352 = arith.muli %add3A_350, %mul3A_351 : i32
      %add3A_353 = arith.addi %mul3A_2, %mul3A_352 : i32
      %dma_start3A_354 = arith.constant 1024 : i32
      %dma_start3A_355 = arith.constant 0 : i32
      %dma_start3A_356 = tpu.memref_slice %arg6[%dma_start3A_354, %dma_start3A_355] : memref<1280x64xf32, #tpu.memory_space<vmem>> -> memref<256x64xf32, #tpu.memory_space<vmem>>
      %dma_start3A_357 = arith.constant 0 : i32
      %dma_start3A_358 = tpu.memref_slice %arg4[%add3A_353, %dma_start3A_357] : memref<819200x128xf32, #tpu.memory_space<hbm>> -> memref<256x64xf32, #tpu.memory_space<hbm>>
      %dma_start3A_359 = arith.constant 0 : i32
      %dma_start3A_360 = tpu.memref_slice %arg4[%add3A_353, %dma_start3A_359] : memref<819200x128xf32, #tpu.memory_space<hbm>> -> memref<256x64xf32, #tpu.memory_space<hbm>>
      %dma_start3A_361 = arith.constant 1024 : i32
      %dma_start3A_362 = arith.constant 0 : i32
      %dma_start3A_363 = tpu.memref_slice %arg6[%dma_start3A_361, %dma_start3A_362] : memref<1280x64xf32, #tpu.memory_space<vmem>> -> memref<256x64xf32, #tpu.memory_space<vmem>>
      tpu.enqueue_dma source(%dma_start3A_363 : memref<256x64xf32, #tpu.memory_space<vmem>>) target(%dma_start3A_360 : memref<256x64xf32, #tpu.memory_space<hbm>>) target_semaphore(%arg16 : memref<!tpu.dma_semaphore, #tpu.memory_space<semaphore_mem>>)
      %dma_wait3A_364 = arith.constant 0 : i32
      %dma_wait3A_365 = arith.constant 0 : i32
      %dma_wait3A_366 = tpu.memref_slice %arg6[%dma_wait3A_364, %dma_wait3A_365] : memref<1280x64xf32, #tpu.memory_space<vmem>> -> memref<256x64xf32, #tpu.memory_space<vmem>>
      %dma_wait3A_367 = arith.constant 0 : i32
      %dma_wait3A_368 = arith.constant 0 : i32
      %dma_wait3A_369 = tpu.memref_slice %arg3[%dma_wait3A_367, %dma_wait3A_368] : memref<100000x64xf32, #tpu.memory_space<hbm>> -> memref<256x64xf32, #tpu.memory_space<hbm>>
      %dma_wait3A_370 = arith.constant 0 : i32
      %dma_wait3A_371 = arith.constant 0 : i32
      %dma_wait3A_372 = tpu.memref_slice %arg6[%dma_wait3A_370, %dma_wait3A_371] : memref<1280x64xf32, #tpu.memory_space<vmem>> -> memref<256x64xf32, #tpu.memory_space<vmem>>
      %dma_wait3A_373 = arith.constant 0 : i32
      %dma_wait3A_374 = arith.constant 0 : i32
      %dma_wait3A_375 = tpu.memref_slice %arg3[%dma_wait3A_373, %dma_wait3A_374] : memref<100000x64xf32, #tpu.memory_space<hbm>> -> memref<256x64xf32, #tpu.memory_space<hbm>>
      tpu.wait_dma2 semaphore(%arg12 : memref<!tpu.dma_semaphore, #tpu.memory_space<semaphore_mem>>) src(%dma_wait3A_375 : memref<256x64xf32, #tpu.memory_space<hbm>>) dst(%dma_wait3A_372 : memref<256x64xf32, #tpu.memory_space<vmem>>)
      %add3A_376 = arith.constant 5 : i32
      %add3A_377 = arith.addi %mul3A_228, %add3A_376 : i32
      %add3A_378 = arith.constant 0 : i32
      %add3A_379 = arith.addi %add3A_377, %add3A_378 : i32
      %mul3A_380 = arith.constant 256 : i32
      %mul3A_381 = arith.muli %add3A_379, %mul3A_380 : i32
      %dma_start3A_382 = arith.constant 0 : i32
      %dma_start3A_383 = arith.constant 0 : i32
      %dma_start3A_384 = tpu.memref_slice %arg6[%dma_start3A_382, %dma_start3A_383] : memref<1280x64xf32, #tpu.memory_space<vmem>> -> memref<256x64xf32, #tpu.memory_space<vmem>>
      %dma_start3A_385 = tpu.memref_slice %arg5[%mul3A_381] : memref<25600xi32, #tpu.memory_space<vmem>> -> memref<256xi32, #tpu.memory_space<vmem>>
      %dma_start3A_386 = arith.constant 0 : i32
      %dma_start3A_387 = arith.constant 0 : i32
      %dma_start3A_388 = tpu.memref_slice %arg3[%dma_start3A_386, %dma_start3A_387] : memref<100000x64xf32, #tpu.memory_space<hbm>> -> memref<100000x64xf32, #tpu.memory_space<hbm>>
      tpu.enqueue_indirect_dma source(%dma_start3A_388 : memref<100000x64xf32, #tpu.memory_space<hbm>>) target(%dma_start3A_384 : memref<256x64xf32, #tpu.memory_space<vmem>>) offsets(%dma_start3A_385 : memref<256xi32, #tpu.memory_space<vmem>>) semaphore(%arg7 : memref<!tpu.dma_semaphore, #tpu.memory_space<semaphore_mem>>)
      %dma_wait3A_389 = arith.constant 256 : i32
      %dma_wait3A_390 = arith.constant 0 : i32
      %dma_wait3A_391 = tpu.memref_slice %arg6[%dma_wait3A_389, %dma_wait3A_390] : memref<1280x64xf32, #tpu.memory_space<vmem>> -> memref<256x64xf32, #tpu.memory_space<vmem>>
      %dma_wait3A_392 = arith.constant 0 : i32
      %dma_wait3A_393 = arith.constant 0 : i32
      %dma_wait3A_394 = tpu.memref_slice %arg3[%dma_wait3A_392, %dma_wait3A_393] : memref<100000x64xf32, #tpu.memory_space<hbm>> -> memref<256x64xf32, #tpu.memory_space<hbm>>
      %dma_wait3A_395 = arith.constant 256 : i32
      %dma_wait3A_396 = arith.constant 0 : i32
      %dma_wait3A_397 = tpu.memref_slice %arg6[%dma_wait3A_395, %dma_wait3A_396] : memref<1280x64xf32, #tpu.memory_space<vmem>> -> memref<256x64xf32, #tpu.memory_space<vmem>>
      %dma_wait3A_398 = arith.constant 0 : i32
      %dma_wait3A_399 = arith.constant 0 : i32
      %dma_wait3A_400 = tpu.memref_slice %arg3[%dma_wait3A_398, %dma_wait3A_399] : memref<100000x64xf32, #tpu.memory_space<hbm>> -> memref<256x64xf32, #tpu.memory_space<hbm>>
      tpu.wait_dma2 semaphore(%arg13 : memref<!tpu.dma_semaphore, #tpu.memory_space<semaphore_mem>>) src(%dma_wait3A_400 : memref<256x64xf32, #tpu.memory_space<hbm>>) dst(%dma_wait3A_397 : memref<256x64xf32, #tpu.memory_space<vmem>>)
      %add3A_401 = arith.constant 5 : i32
      %add3A_402 = arith.addi %mul3A_228, %add3A_401 : i32
      %add3A_403 = arith.constant 1 : i32
      %add3A_404 = arith.addi %add3A_402, %add3A_403 : i32
      %mul3A_405 = arith.constant 256 : i32
      %mul3A_406 = arith.muli %add3A_404, %mul3A_405 : i32
      %dma_start3A_407 = arith.constant 256 : i32
      %dma_start3A_408 = arith.constant 0 : i32
      %dma_start3A_409 = tpu.memref_slice %arg6[%dma_start3A_407, %dma_start3A_408] : memref<1280x64xf32, #tpu.memory_space<vmem>> -> memref<256x64xf32, #tpu.memory_space<vmem>>
      %dma_start3A_410 = tpu.memref_slice %arg5[%mul3A_406] : memref<25600xi32, #tpu.memory_space<vmem>> -> memref<256xi32, #tpu.memory_space<vmem>>
      %dma_start3A_411 = arith.constant 0 : i32
      %dma_start3A_412 = arith.constant 0 : i32
      %dma_start3A_413 = tpu.memref_slice %arg3[%dma_start3A_411, %dma_start3A_412] : memref<100000x64xf32, #tpu.memory_space<hbm>> -> memref<100000x64xf32, #tpu.memory_space<hbm>>
      tpu.enqueue_indirect_dma source(%dma_start3A_413 : memref<100000x64xf32, #tpu.memory_space<hbm>>) target(%dma_start3A_409 : memref<256x64xf32, #tpu.memory_space<vmem>>) offsets(%dma_start3A_410 : memref<256xi32, #tpu.memory_space<vmem>>) semaphore(%arg8 : memref<!tpu.dma_semaphore, #tpu.memory_space<semaphore_mem>>)
      %dma_wait3A_414 = arith.constant 512 : i32
      %dma_wait3A_415 = arith.constant 0 : i32
      %dma_wait3A_416 = tpu.memref_slice %arg6[%dma_wait3A_414, %dma_wait3A_415] : memref<1280x64xf32, #tpu.memory_space<vmem>> -> memref<256x64xf32, #tpu.memory_space<vmem>>
      %dma_wait3A_417 = arith.constant 0 : i32
      %dma_wait3A_418 = arith.constant 0 : i32
      %dma_wait3A_419 = tpu.memref_slice %arg3[%dma_wait3A_417, %dma_wait3A_418] : memref<100000x64xf32, #tpu.memory_space<hbm>> -> memref<256x64xf32, #tpu.memory_space<hbm>>
      %dma_wait3A_420 = arith.constant 512 : i32
      %dma_wait3A_421 = arith.constant 0 : i32
      %dma_wait3A_422 = tpu.memref_slice %arg6[%dma_wait3A_420, %dma_wait3A_421] : memref<1280x64xf32, #tpu.memory_space<vmem>> -> memref<256x64xf32, #tpu.memory_space<vmem>>
      %dma_wait3A_423 = arith.constant 0 : i32
      %dma_wait3A_424 = arith.constant 0 : i32
      %dma_wait3A_425 = tpu.memref_slice %arg3[%dma_wait3A_423, %dma_wait3A_424] : memref<100000x64xf32, #tpu.memory_space<hbm>> -> memref<256x64xf32, #tpu.memory_space<hbm>>
      tpu.wait_dma2 semaphore(%arg14 : memref<!tpu.dma_semaphore, #tpu.memory_space<semaphore_mem>>) src(%dma_wait3A_425 : memref<256x64xf32, #tpu.memory_space<hbm>>) dst(%dma_wait3A_422 : memref<256x64xf32, #tpu.memory_space<vmem>>)
      %add3A_426 = arith.constant 5 : i32
      %add3A_427 = arith.addi %mul3A_228, %add3A_426 : i32
      %add3A_428 = arith.constant 2 : i32
      %add3A_429 = arith.addi %add3A_427, %add3A_428 : i32
      %mul3A_430 = arith.constant 256 : i32
      %mul3A_431 = arith.muli %add3A_429, %mul3A_430 : i32
      %dma_start3A_432 = arith.constant 512 : i32
      %dma_start3A_433 = arith.constant 0 : i32
      %dma_start3A_434 = tpu.memref_slice %arg6[%dma_start3A_432, %dma_start3A_433] : memref<1280x64xf32, #tpu.memory_space<vmem>> -> memref<256x64xf32, #tpu.memory_space<vmem>>
      %dma_start3A_435 = tpu.memref_slice %arg5[%mul3A_431] : memref<25600xi32, #tpu.memory_space<vmem>> -> memref<256xi32, #tpu.memory_space<vmem>>
      %dma_start3A_436 = arith.constant 0 : i32
      %dma_start3A_437 = arith.constant 0 : i32
      %dma_start3A_438 = tpu.memref_slice %arg3[%dma_start3A_436, %dma_start3A_437] : memref<100000x64xf32, #tpu.memory_space<hbm>> -> memref<100000x64xf32, #tpu.memory_space<hbm>>
      tpu.enqueue_indirect_dma source(%dma_start3A_438 : memref<100000x64xf32, #tpu.memory_space<hbm>>) target(%dma_start3A_434 : memref<256x64xf32, #tpu.memory_space<vmem>>) offsets(%dma_start3A_435 : memref<256xi32, #tpu.memory_space<vmem>>) semaphore(%arg9 : memref<!tpu.dma_semaphore, #tpu.memory_space<semaphore_mem>>)
      %dma_wait3A_439 = arith.constant 768 : i32
      %dma_wait3A_440 = arith.constant 0 : i32
      %dma_wait3A_441 = tpu.memref_slice %arg6[%dma_wait3A_439, %dma_wait3A_440] : memref<1280x64xf32, #tpu.memory_space<vmem>> -> memref<256x64xf32, #tpu.memory_space<vmem>>
      %dma_wait3A_442 = arith.constant 0 : i32
      %dma_wait3A_443 = arith.constant 0 : i32
      %dma_wait3A_444 = tpu.memref_slice %arg3[%dma_wait3A_442, %dma_wait3A_443] : memref<100000x64xf32, #tpu.memory_space<hbm>> -> memref<256x64xf32, #tpu.memory_space<hbm>>
      %dma_wait3A_445 = arith.constant 768 : i32
      %dma_wait3A_446 = arith.constant 0 : i32
      %dma_wait3A_447 = tpu.memref_slice %arg6[%dma_wait3A_445, %dma_wait3A_446] : memref<1280x64xf32, #tpu.memory_space<vmem>> -> memref<256x64xf32, #tpu.memory_space<vmem>>
      %dma_wait3A_448 = arith.constant 0 : i32
      %dma_wait3A_449 = arith.constant 0 : i32
      %dma_wait3A_450 = tpu.memref_slice %arg3[%dma_wait3A_448, %dma_wait3A_449] : memref<100000x64xf32, #tpu.memory_space<hbm>> -> memref<256x64xf32, #tpu.memory_space<hbm>>
      tpu.wait_dma2 semaphore(%arg15 : memref<!tpu.dma_semaphore, #tpu.memory_space<semaphore_mem>>) src(%dma_wait3A_450 : memref<256x64xf32, #tpu.memory_space<hbm>>) dst(%dma_wait3A_447 : memref<256x64xf32, #tpu.memory_space<vmem>>)
      %add3A_451 = arith.constant 5 : i32
      %add3A_452 = arith.addi %mul3A_228, %add3A_451 : i32
      %add3A_453 = arith.constant 3 : i32
      %add3A_454 = arith.addi %add3A_452, %add3A_453 : i32
      %mul3A_455 = arith.constant 256 : i32
      %mul3A_456 = arith.muli %add3A_454, %mul3A_455 : i32
      %dma_start3A_457 = arith.constant 768 : i32
      %dma_start3A_458 = arith.constant 0 : i32
      %dma_start3A_459 = tpu.memref_slice %arg6[%dma_start3A_457, %dma_start3A_458] : memref<1280x64xf32, #tpu.memory_space<vmem>> -> memref<256x64xf32, #tpu.memory_space<vmem>>
      %dma_start3A_460 = tpu.memref_slice %arg5[%mul3A_456] : memref<25600xi32, #tpu.memory_space<vmem>> -> memref<256xi32, #tpu.memory_space<vmem>>
      %dma_start3A_461 = arith.constant 0 : i32
      %dma_start3A_462 = arith.constant 0 : i32
      %dma_start3A_463 = tpu.memref_slice %arg3[%dma_start3A_461, %dma_start3A_462] : memref<100000x64xf32, #tpu.memory_space<hbm>> -> memref<100000x64xf32, #tpu.memory_space<hbm>>
      tpu.enqueue_indirect_dma source(%dma_start3A_463 : memref<100000x64xf32, #tpu.memory_space<hbm>>) target(%dma_start3A_459 : memref<256x64xf32, #tpu.memory_space<vmem>>) offsets(%dma_start3A_460 : memref<256xi32, #tpu.memory_space<vmem>>) semaphore(%arg10 : memref<!tpu.dma_semaphore, #tpu.memory_space<semaphore_mem>>)
      %dma_wait3A_464 = arith.constant 1024 : i32
      %dma_wait3A_465 = arith.constant 0 : i32
      %dma_wait3A_466 = tpu.memref_slice %arg6[%dma_wait3A_464, %dma_wait3A_465] : memref<1280x64xf32, #tpu.memory_space<vmem>> -> memref<256x64xf32, #tpu.memory_space<vmem>>
      %dma_wait3A_467 = arith.constant 0 : i32
      %dma_wait3A_468 = arith.constant 0 : i32
      %dma_wait3A_469 = tpu.memref_slice %arg3[%dma_wait3A_467, %dma_wait3A_468] : memref<100000x64xf32, #tpu.memory_space<hbm>> -> memref<256x64xf32, #tpu.memory_space<hbm>>
      %dma_wait3A_470 = arith.constant 1024 : i32
      %dma_wait3A_471 = arith.constant 0 : i32
      %dma_wait3A_472 = tpu.memref_slice %arg6[%dma_wait3A_470, %dma_wait3A_471] : memref<1280x64xf32, #tpu.memory_space<vmem>> -> memref<256x64xf32, #tpu.memory_space<vmem>>
      %dma_wait3A_473 = arith.constant 0 : i32
      %dma_wait3A_474 = arith.constant 0 : i32
      %dma_wait3A_475 = tpu.memref_slice %arg3[%dma_wait3A_473, %dma_wait3A_474] : memref<100000x64xf32, #tpu.memory_space<hbm>> -> memref<256x64xf32, #tpu.memory_space<hbm>>
      tpu.wait_dma2 semaphore(%arg16 : memref<!tpu.dma_semaphore, #tpu.memory_space<semaphore_mem>>) src(%dma_wait3A_475 : memref<256x64xf32, #tpu.memory_space<hbm>>) dst(%dma_wait3A_472 : memref<256x64xf32, #tpu.memory_space<vmem>>)
      %add3A_476 = arith.constant 5 : i32
      %add3A_477 = arith.addi %mul3A_228, %add3A_476 : i32
      %add3A_478 = arith.constant 4 : i32
      %add3A_479 = arith.addi %add3A_477, %add3A_478 : i32
      %mul3A_480 = arith.constant 256 : i32
      %mul3A_481 = arith.muli %add3A_479, %mul3A_480 : i32
      %dma_start3A_482 = arith.constant 1024 : i32
      %dma_start3A_483 = arith.constant 0 : i32
      %dma_start3A_484 = tpu.memref_slice %arg6[%dma_start3A_482, %dma_start3A_483] : memref<1280x64xf32, #tpu.memory_space<vmem>> -> memref<256x64xf32, #tpu.memory_space<vmem>>
      %dma_start3A_485 = tpu.memref_slice %arg5[%mul3A_481] : memref<25600xi32, #tpu.memory_space<vmem>> -> memref<256xi32, #tpu.memory_space<vmem>>
      %dma_start3A_486 = arith.constant 0 : i32
      %dma_start3A_487 = arith.constant 0 : i32
      %dma_start3A_488 = tpu.memref_slice %arg3[%dma_start3A_486, %dma_start3A_487] : memref<100000x64xf32, #tpu.memory_space<hbm>> -> memref<100000x64xf32, #tpu.memory_space<hbm>>
      tpu.enqueue_indirect_dma source(%dma_start3A_488 : memref<100000x64xf32, #tpu.memory_space<hbm>>) target(%dma_start3A_484 : memref<256x64xf32, #tpu.memory_space<vmem>>) offsets(%dma_start3A_485 : memref<256xi32, #tpu.memory_space<vmem>>) semaphore(%arg11 : memref<!tpu.dma_semaphore, #tpu.memory_space<semaphore_mem>>)
    }
    %scan3A_46 = arith.constant 19 : i32
    %dma_wait3A = arith.constant 0 : i32
    %dma_wait3A_47 = arith.constant 0 : i32
    %dma_wait3A_48 = tpu.memref_slice %arg6[%dma_wait3A, %dma_wait3A_47] : memref<1280x64xf32, #tpu.memory_space<vmem>> -> memref<256x64xf32, #tpu.memory_space<vmem>>
    %dma_wait3A_49 = arith.constant 0 : i32
    %dma_wait3A_50 = arith.constant 0 : i32
    %dma_wait3A_51 = tpu.memref_slice %arg3[%dma_wait3A_49, %dma_wait3A_50] : memref<100000x64xf32, #tpu.memory_space<hbm>> -> memref<256x64xf32, #tpu.memory_space<hbm>>
    %dma_wait3A_52 = arith.constant 0 : i32
    %dma_wait3A_53 = arith.constant 0 : i32
    %dma_wait3A_54 = tpu.memref_slice %arg6[%dma_wait3A_52, %dma_wait3A_53] : memref<1280x64xf32, #tpu.memory_space<vmem>> -> memref<256x64xf32, #tpu.memory_space<vmem>>
    %dma_wait3A_55 = arith.constant 0 : i32
    %dma_wait3A_56 = arith.constant 0 : i32
    %dma_wait3A_57 = tpu.memref_slice %arg3[%dma_wait3A_55, %dma_wait3A_56] : memref<100000x64xf32, #tpu.memory_space<hbm>> -> memref<256x64xf32, #tpu.memory_space<hbm>>
    tpu.wait_dma2 semaphore(%arg7 : memref<!tpu.dma_semaphore, #tpu.memory_space<semaphore_mem>>) src(%dma_wait3A_57 : memref<256x64xf32, #tpu.memory_space<hbm>>) dst(%dma_wait3A_54 : memref<256x64xf32, #tpu.memory_space<vmem>>)
    %add3A_58 = arith.constant 24320 : i32
    %add3A_59 = arith.addi %mul3A_2, %add3A_58 : i32
    %dma_start3A_60 = arith.constant 0 : i32
    %dma_start3A_61 = arith.constant 0 : i32
    %dma_start3A_62 = tpu.memref_slice %arg6[%dma_start3A_60, %dma_start3A_61] : memref<1280x64xf32, #tpu.memory_space<vmem>> -> memref<256x64xf32, #tpu.memory_space<vmem>>
    %dma_start3A_63 = arith.constant 0 : i32
    %dma_start3A_64 = tpu.memref_slice %arg4[%add3A_59, %dma_start3A_63] : memref<819200x128xf32, #tpu.memory_space<hbm>> -> memref<256x64xf32, #tpu.memory_space<hbm>>
    %dma_start3A_65 = arith.constant 0 : i32
    %dma_start3A_66 = tpu.memref_slice %arg4[%add3A_59, %dma_start3A_65] : memref<819200x128xf32, #tpu.memory_space<hbm>> -> memref<256x64xf32, #tpu.memory_space<hbm>>
    %dma_start3A_67 = arith.constant 0 : i32
    %dma_start3A_68 = arith.constant 0 : i32
    %dma_start3A_69 = tpu.memref_slice %arg6[%dma_start3A_67, %dma_start3A_68] : memref<1280x64xf32, #tpu.memory_space<vmem>> -> memref<256x64xf32, #tpu.memory_space<vmem>>
    tpu.enqueue_dma source(%dma_start3A_69 : memref<256x64xf32, #tpu.memory_space<vmem>>) target(%dma_start3A_66 : memref<256x64xf32, #tpu.memory_space<hbm>>) target_semaphore(%arg12 : memref<!tpu.dma_semaphore, #tpu.memory_space<semaphore_mem>>)
    %dma_wait3A_70 = arith.constant 256 : i32
    %dma_wait3A_71 = arith.constant 0 : i32
    %dma_wait3A_72 = tpu.memref_slice %arg6[%dma_wait3A_70, %dma_wait3A_71] : memref<1280x64xf32, #tpu.memory_space<vmem>> -> memref<256x64xf32, #tpu.memory_space<vmem>>
    %dma_wait3A_73 = arith.constant 0 : i32
    %dma_wait3A_74 = arith.constant 0 : i32
    %dma_wait3A_75 = tpu.memref_slice %arg3[%dma_wait3A_73, %dma_wait3A_74] : memref<100000x64xf32, #tpu.memory_space<hbm>> -> memref<256x64xf32, #tpu.memory_space<hbm>>
    %dma_wait3A_76 = arith.constant 256 : i32
    %dma_wait3A_77 = arith.constant 0 : i32
    %dma_wait3A_78 = tpu.memref_slice %arg6[%dma_wait3A_76, %dma_wait3A_77] : memref<1280x64xf32, #tpu.memory_space<vmem>> -> memref<256x64xf32, #tpu.memory_space<vmem>>
    %dma_wait3A_79 = arith.constant 0 : i32
    %dma_wait3A_80 = arith.constant 0 : i32
    %dma_wait3A_81 = tpu.memref_slice %arg3[%dma_wait3A_79, %dma_wait3A_80] : memref<100000x64xf32, #tpu.memory_space<hbm>> -> memref<256x64xf32, #tpu.memory_space<hbm>>
    tpu.wait_dma2 semaphore(%arg8 : memref<!tpu.dma_semaphore, #tpu.memory_space<semaphore_mem>>) src(%dma_wait3A_81 : memref<256x64xf32, #tpu.memory_space<hbm>>) dst(%dma_wait3A_78 : memref<256x64xf32, #tpu.memory_space<vmem>>)
    %add3A_82 = arith.constant 24576 : i32
    %add3A_83 = arith.addi %mul3A_2, %add3A_82 : i32
    %dma_start3A_84 = arith.constant 256 : i32
    %dma_start3A_85 = arith.constant 0 : i32
    %dma_start3A_86 = tpu.memref_slice %arg6[%dma_start3A_84, %dma_start3A_85] : memref<1280x64xf32, #tpu.memory_space<vmem>> -> memref<256x64xf32, #tpu.memory_space<vmem>>
    %dma_start3A_87 = arith.constant 0 : i32
    %dma_start3A_88 = tpu.memref_slice %arg4[%add3A_83, %dma_start3A_87] : memref<819200x128xf32, #tpu.memory_space<hbm>> -> memref<256x64xf32, #tpu.memory_space<hbm>>
    %dma_start3A_89 = arith.constant 0 : i32
    %dma_start3A_90 = tpu.memref_slice %arg4[%add3A_83, %dma_start3A_89] : memref<819200x128xf32, #tpu.memory_space<hbm>> -> memref<256x64xf32, #tpu.memory_space<hbm>>
    %dma_start3A_91 = arith.constant 256 : i32
    %dma_start3A_92 = arith.constant 0 : i32
    %dma_start3A_93 = tpu.memref_slice %arg6[%dma_start3A_91, %dma_start3A_92] : memref<1280x64xf32, #tpu.memory_space<vmem>> -> memref<256x64xf32, #tpu.memory_space<vmem>>
    tpu.enqueue_dma source(%dma_start3A_93 : memref<256x64xf32, #tpu.memory_space<vmem>>) target(%dma_start3A_90 : memref<256x64xf32, #tpu.memory_space<hbm>>) target_semaphore(%arg13 : memref<!tpu.dma_semaphore, #tpu.memory_space<semaphore_mem>>)
    %dma_wait3A_94 = arith.constant 512 : i32
    %dma_wait3A_95 = arith.constant 0 : i32
    %dma_wait3A_96 = tpu.memref_slice %arg6[%dma_wait3A_94, %dma_wait3A_95] : memref<1280x64xf32, #tpu.memory_space<vmem>> -> memref<256x64xf32, #tpu.memory_space<vmem>>
    %dma_wait3A_97 = arith.constant 0 : i32
    %dma_wait3A_98 = arith.constant 0 : i32
    %dma_wait3A_99 = tpu.memref_slice %arg3[%dma_wait3A_97, %dma_wait3A_98] : memref<100000x64xf32, #tpu.memory_space<hbm>> -> memref<256x64xf32, #tpu.memory_space<hbm>>
    %dma_wait3A_100 = arith.constant 512 : i32
    %dma_wait3A_101 = arith.constant 0 : i32
    %dma_wait3A_102 = tpu.memref_slice %arg6[%dma_wait3A_100, %dma_wait3A_101] : memref<1280x64xf32, #tpu.memory_space<vmem>> -> memref<256x64xf32, #tpu.memory_space<vmem>>
    %dma_wait3A_103 = arith.constant 0 : i32
    %dma_wait3A_104 = arith.constant 0 : i32
    %dma_wait3A_105 = tpu.memref_slice %arg3[%dma_wait3A_103, %dma_wait3A_104] : memref<100000x64xf32, #tpu.memory_space<hbm>> -> memref<256x64xf32, #tpu.memory_space<hbm>>
    tpu.wait_dma2 semaphore(%arg9 : memref<!tpu.dma_semaphore, #tpu.memory_space<semaphore_mem>>) src(%dma_wait3A_105 : memref<256x64xf32, #tpu.memory_space<hbm>>) dst(%dma_wait3A_102 : memref<256x64xf32, #tpu.memory_space<vmem>>)
    %add3A_106 = arith.constant 24832 : i32
    %add3A_107 = arith.addi %mul3A_2, %add3A_106 : i32
    %dma_start3A_108 = arith.constant 512 : i32
    %dma_start3A_109 = arith.constant 0 : i32
    %dma_start3A_110 = tpu.memref_slice %arg6[%dma_start3A_108, %dma_start3A_109] : memref<1280x64xf32, #tpu.memory_space<vmem>> -> memref<256x64xf32, #tpu.memory_space<vmem>>
    %dma_start3A_111 = arith.constant 0 : i32
    %dma_start3A_112 = tpu.memref_slice %arg4[%add3A_107, %dma_start3A_111] : memref<819200x128xf32, #tpu.memory_space<hbm>> -> memref<256x64xf32, #tpu.memory_space<hbm>>
    %dma_start3A_113 = arith.constant 0 : i32
    %dma_start3A_114 = tpu.memref_slice %arg4[%add3A_107, %dma_start3A_113] : memref<819200x128xf32, #tpu.memory_space<hbm>> -> memref<256x64xf32, #tpu.memory_space<hbm>>
    %dma_start3A_115 = arith.constant 512 : i32
    %dma_start3A_116 = arith.constant 0 : i32
    %dma_start3A_117 = tpu.memref_slice %arg6[%dma_start3A_115, %dma_start3A_116] : memref<1280x64xf32, #tpu.memory_space<vmem>> -> memref<256x64xf32, #tpu.memory_space<vmem>>
    tpu.enqueue_dma source(%dma_start3A_117 : memref<256x64xf32, #tpu.memory_space<vmem>>) target(%dma_start3A_114 : memref<256x64xf32, #tpu.memory_space<hbm>>) target_semaphore(%arg14 : memref<!tpu.dma_semaphore, #tpu.memory_space<semaphore_mem>>)
    %dma_wait3A_118 = arith.constant 768 : i32
    %dma_wait3A_119 = arith.constant 0 : i32
    %dma_wait3A_120 = tpu.memref_slice %arg6[%dma_wait3A_118, %dma_wait3A_119] : memref<1280x64xf32, #tpu.memory_space<vmem>> -> memref<256x64xf32, #tpu.memory_space<vmem>>
    %dma_wait3A_121 = arith.constant 0 : i32
    %dma_wait3A_122 = arith.constant 0 : i32
    %dma_wait3A_123 = tpu.memref_slice %arg3[%dma_wait3A_121, %dma_wait3A_122] : memref<100000x64xf32, #tpu.memory_space<hbm>> -> memref<256x64xf32, #tpu.memory_space<hbm>>
    %dma_wait3A_124 = arith.constant 768 : i32
    %dma_wait3A_125 = arith.constant 0 : i32
    %dma_wait3A_126 = tpu.memref_slice %arg6[%dma_wait3A_124, %dma_wait3A_125] : memref<1280x64xf32, #tpu.memory_space<vmem>> -> memref<256x64xf32, #tpu.memory_space<vmem>>
    %dma_wait3A_127 = arith.constant 0 : i32
    %dma_wait3A_128 = arith.constant 0 : i32
    %dma_wait3A_129 = tpu.memref_slice %arg3[%dma_wait3A_127, %dma_wait3A_128] : memref<100000x64xf32, #tpu.memory_space<hbm>> -> memref<256x64xf32, #tpu.memory_space<hbm>>
    tpu.wait_dma2 semaphore(%arg10 : memref<!tpu.dma_semaphore, #tpu.memory_space<semaphore_mem>>) src(%dma_wait3A_129 : memref<256x64xf32, #tpu.memory_space<hbm>>) dst(%dma_wait3A_126 : memref<256x64xf32, #tpu.memory_space<vmem>>)
    %add3A_130 = arith.constant 25088 : i32
    %add3A_131 = arith.addi %mul3A_2, %add3A_130 : i32
    %dma_start3A_132 = arith.constant 768 : i32
    %dma_start3A_133 = arith.constant 0 : i32
    %dma_start3A_134 = tpu.memref_slice %arg6[%dma_start3A_132, %dma_start3A_133] : memref<1280x64xf32, #tpu.memory_space<vmem>> -> memref<256x64xf32, #tpu.memory_space<vmem>>
    %dma_start3A_135 = arith.constant 0 : i32
    %dma_start3A_136 = tpu.memref_slice %arg4[%add3A_131, %dma_start3A_135] : memref<819200x128xf32, #tpu.memory_space<hbm>> -> memref<256x64xf32, #tpu.memory_space<hbm>>
    %dma_start3A_137 = arith.constant 0 : i32
    %dma_start3A_138 = tpu.memref_slice %arg4[%add3A_131, %dma_start3A_137] : memref<819200x128xf32, #tpu.memory_space<hbm>> -> memref<256x64xf32, #tpu.memory_space<hbm>>
    %dma_start3A_139 = arith.constant 768 : i32
    %dma_start3A_140 = arith.constant 0 : i32
    %dma_start3A_141 = tpu.memref_slice %arg6[%dma_start3A_139, %dma_start3A_140] : memref<1280x64xf32, #tpu.memory_space<vmem>> -> memref<256x64xf32, #tpu.memory_space<vmem>>
    tpu.enqueue_dma source(%dma_start3A_141 : memref<256x64xf32, #tpu.memory_space<vmem>>) target(%dma_start3A_138 : memref<256x64xf32, #tpu.memory_space<hbm>>) target_semaphore(%arg15 : memref<!tpu.dma_semaphore, #tpu.memory_space<semaphore_mem>>)
    %dma_wait3A_142 = arith.constant 1024 : i32
    %dma_wait3A_143 = arith.constant 0 : i32
    %dma_wait3A_144 = tpu.memref_slice %arg6[%dma_wait3A_142, %dma_wait3A_143] : memref<1280x64xf32, #tpu.memory_space<vmem>> -> memref<256x64xf32, #tpu.memory_space<vmem>>
    %dma_wait3A_145 = arith.constant 0 : i32
    %dma_wait3A_146 = arith.constant 0 : i32
    %dma_wait3A_147 = tpu.memref_slice %arg3[%dma_wait3A_145, %dma_wait3A_146] : memref<100000x64xf32, #tpu.memory_space<hbm>> -> memref<256x64xf32, #tpu.memory_space<hbm>>
    %dma_wait3A_148 = arith.constant 1024 : i32
    %dma_wait3A_149 = arith.constant 0 : i32
    %dma_wait3A_150 = tpu.memref_slice %arg6[%dma_wait3A_148, %dma_wait3A_149] : memref<1280x64xf32, #tpu.memory_space<vmem>> -> memref<256x64xf32, #tpu.memory_space<vmem>>
    %dma_wait3A_151 = arith.constant 0 : i32
    %dma_wait3A_152 = arith.constant 0 : i32
    %dma_wait3A_153 = tpu.memref_slice %arg3[%dma_wait3A_151, %dma_wait3A_152] : memref<100000x64xf32, #tpu.memory_space<hbm>> -> memref<256x64xf32, #tpu.memory_space<hbm>>
    tpu.wait_dma2 semaphore(%arg11 : memref<!tpu.dma_semaphore, #tpu.memory_space<semaphore_mem>>) src(%dma_wait3A_153 : memref<256x64xf32, #tpu.memory_space<hbm>>) dst(%dma_wait3A_150 : memref<256x64xf32, #tpu.memory_space<vmem>>)
    %add3A_154 = arith.constant 25344 : i32
    %add3A_155 = arith.addi %mul3A_2, %add3A_154 : i32
    %dma_start3A_156 = arith.constant 1024 : i32
    %dma_start3A_157 = arith.constant 0 : i32
    %dma_start3A_158 = tpu.memref_slice %arg6[%dma_start3A_156, %dma_start3A_157] : memref<1280x64xf32, #tpu.memory_space<vmem>> -> memref<256x64xf32, #tpu.memory_space<vmem>>
    %dma_start3A_159 = arith.constant 0 : i32
    %dma_start3A_160 = tpu.memref_slice %arg4[%add3A_155, %dma_start3A_159] : memref<819200x128xf32, #tpu.memory_space<hbm>> -> memref<256x64xf32, #tpu.memory_space<hbm>>
    %dma_start3A_161 = arith.constant 0 : i32
    %dma_start3A_162 = tpu.memref_slice %arg4[%add3A_155, %dma_start3A_161] : memref<819200x128xf32, #tpu.memory_space<hbm>> -> memref<256x64xf32, #tpu.memory_space<hbm>>
    %dma_start3A_163 = arith.constant 1024 : i32
    %dma_start3A_164 = arith.constant 0 : i32
    %dma_start3A_165 = tpu.memref_slice %arg6[%dma_start3A_163, %dma_start3A_164] : memref<1280x64xf32, #tpu.memory_space<vmem>> -> memref<256x64xf32, #tpu.memory_space<vmem>>
    tpu.enqueue_dma source(%dma_start3A_165 : memref<256x64xf32, #tpu.memory_space<vmem>>) target(%dma_start3A_162 : memref<256x64xf32, #tpu.memory_space<hbm>>) target_semaphore(%arg16 : memref<!tpu.dma_semaphore, #tpu.memory_space<semaphore_mem>>)
    %dma_wait3A_166 = arith.constant 0 : i32
    %dma_wait3A_167 = arith.constant 0 : i32
    %dma_wait3A_168 = tpu.memref_slice %arg6[%dma_wait3A_166, %dma_wait3A_167] : memref<1280x64xf32, #tpu.memory_space<vmem>> -> memref<256x64xf32, #tpu.memory_space<vmem>>
    %dma_wait3A_169 = arith.constant 0 : i32
    %dma_wait3A_170 = arith.constant 0 : i32
    %dma_wait3A_171 = tpu.memref_slice %arg3[%dma_wait3A_169, %dma_wait3A_170] : memref<100000x64xf32, #tpu.memory_space<hbm>> -> memref<256x64xf32, #tpu.memory_space<hbm>>
    %dma_wait3A_172 = arith.constant 0 : i32
    %dma_wait3A_173 = arith.constant 0 : i32
    %dma_wait3A_174 = tpu.memref_slice %arg6[%dma_wait3A_172, %dma_wait3A_173] : memref<1280x64xf32, #tpu.memory_space<vmem>> -> memref<256x64xf32, #tpu.memory_space<vmem>>
    %dma_wait3A_175 = arith.constant 0 : i32
    %dma_wait3A_176 = arith.constant 0 : i32
    %dma_wait3A_177 = tpu.memref_slice %arg3[%dma_wait3A_175, %dma_wait3A_176] : memref<100000x64xf32, #tpu.memory_space<hbm>> -> memref<256x64xf32, #tpu.memory_space<hbm>>
    tpu.wait_dma2 semaphore(%arg12 : memref<!tpu.dma_semaphore, #tpu.memory_space<semaphore_mem>>) src(%dma_wait3A_177 : memref<256x64xf32, #tpu.memory_space<hbm>>) dst(%dma_wait3A_174 : memref<256x64xf32, #tpu.memory_space<vmem>>)
    %dma_wait3A_178 = arith.constant 256 : i32
    %dma_wait3A_179 = arith.constant 0 : i32
    %dma_wait3A_180 = tpu.memref_slice %arg6[%dma_wait3A_178, %dma_wait3A_179] : memref<1280x64xf32, #tpu.memory_space<vmem>> -> memref<256x64xf32, #tpu.memory_space<vmem>>
    %dma_wait3A_181 = arith.constant 0 : i32
    %dma_wait3A_182 = arith.constant 0 : i32
    %dma_wait3A_183 = tpu.memref_slice %arg3[%dma_wait3A_181, %dma_wait3A_182] : memref<100000x64xf32, #tpu.memory_space<hbm>> -> memref<256x64xf32, #tpu.memory_space<hbm>>
    %dma_wait3A_184 = arith.constant 256 : i32
    %dma_wait3A_185 = arith.constant 0 : i32
    %dma_wait3A_186 = tpu.memref_slice %arg6[%dma_wait3A_184, %dma_wait3A_185] : memref<1280x64xf32, #tpu.memory_space<vmem>> -> memref<256x64xf32, #tpu.memory_space<vmem>>
    %dma_wait3A_187 = arith.constant 0 : i32
    %dma_wait3A_188 = arith.constant 0 : i32
    %dma_wait3A_189 = tpu.memref_slice %arg3[%dma_wait3A_187, %dma_wait3A_188] : memref<100000x64xf32, #tpu.memory_space<hbm>> -> memref<256x64xf32, #tpu.memory_space<hbm>>
    tpu.wait_dma2 semaphore(%arg13 : memref<!tpu.dma_semaphore, #tpu.memory_space<semaphore_mem>>) src(%dma_wait3A_189 : memref<256x64xf32, #tpu.memory_space<hbm>>) dst(%dma_wait3A_186 : memref<256x64xf32, #tpu.memory_space<vmem>>)
    %dma_wait3A_190 = arith.constant 512 : i32
    %dma_wait3A_191 = arith.constant 0 : i32
    %dma_wait3A_192 = tpu.memref_slice %arg6[%dma_wait3A_190, %dma_wait3A_191] : memref<1280x64xf32, #tpu.memory_space<vmem>> -> memref<256x64xf32, #tpu.memory_space<vmem>>
    %dma_wait3A_193 = arith.constant 0 : i32
    %dma_wait3A_194 = arith.constant 0 : i32
    %dma_wait3A_195 = tpu.memref_slice %arg3[%dma_wait3A_193, %dma_wait3A_194] : memref<100000x64xf32, #tpu.memory_space<hbm>> -> memref<256x64xf32, #tpu.memory_space<hbm>>
    %dma_wait3A_196 = arith.constant 512 : i32
    %dma_wait3A_197 = arith.constant 0 : i32
    %dma_wait3A_198 = tpu.memref_slice %arg6[%dma_wait3A_196, %dma_wait3A_197] : memref<1280x64xf32, #tpu.memory_space<vmem>> -> memref<256x64xf32, #tpu.memory_space<vmem>>
    %dma_wait3A_199 = arith.constant 0 : i32
    %dma_wait3A_200 = arith.constant 0 : i32
    %dma_wait3A_201 = tpu.memref_slice %arg3[%dma_wait3A_199, %dma_wait3A_200] : memref<100000x64xf32, #tpu.memory_space<hbm>> -> memref<256x64xf32, #tpu.memory_space<hbm>>
    tpu.wait_dma2 semaphore(%arg14 : memref<!tpu.dma_semaphore, #tpu.memory_space<semaphore_mem>>) src(%dma_wait3A_201 : memref<256x64xf32, #tpu.memory_space<hbm>>) dst(%dma_wait3A_198 : memref<256x64xf32, #tpu.memory_space<vmem>>)
    %dma_wait3A_202 = arith.constant 768 : i32
    %dma_wait3A_203 = arith.constant 0 : i32
    %dma_wait3A_204 = tpu.memref_slice %arg6[%dma_wait3A_202, %dma_wait3A_203] : memref<1280x64xf32, #tpu.memory_space<vmem>> -> memref<256x64xf32, #tpu.memory_space<vmem>>
    %dma_wait3A_205 = arith.constant 0 : i32
    %dma_wait3A_206 = arith.constant 0 : i32
    %dma_wait3A_207 = tpu.memref_slice %arg3[%dma_wait3A_205, %dma_wait3A_206] : memref<100000x64xf32, #tpu.memory_space<hbm>> -> memref<256x64xf32, #tpu.memory_space<hbm>>
    %dma_wait3A_208 = arith.constant 768 : i32
    %dma_wait3A_209 = arith.constant 0 : i32
    %dma_wait3A_210 = tpu.memref_slice %arg6[%dma_wait3A_208, %dma_wait3A_209] : memref<1280x64xf32, #tpu.memory_space<vmem>> -> memref<256x64xf32, #tpu.memory_space<vmem>>
    %dma_wait3A_211 = arith.constant 0 : i32
    %dma_wait3A_212 = arith.constant 0 : i32
    %dma_wait3A_213 = tpu.memref_slice %arg3[%dma_wait3A_211, %dma_wait3A_212] : memref<100000x64xf32, #tpu.memory_space<hbm>> -> memref<256x64xf32, #tpu.memory_space<hbm>>
    tpu.wait_dma2 semaphore(%arg15 : memref<!tpu.dma_semaphore, #tpu.memory_space<semaphore_mem>>) src(%dma_wait3A_213 : memref<256x64xf32, #tpu.memory_space<hbm>>) dst(%dma_wait3A_210 : memref<256x64xf32, #tpu.memory_space<vmem>>)
    %dma_wait3A_214 = arith.constant 1024 : i32
    %dma_wait3A_215 = arith.constant 0 : i32
    %dma_wait3A_216 = tpu.memref_slice %arg6[%dma_wait3A_214, %dma_wait3A_215] : memref<1280x64xf32, #tpu.memory_space<vmem>> -> memref<256x64xf32, #tpu.memory_space<vmem>>
    %dma_wait3A_217 = arith.constant 0 : i32
    %dma_wait3A_218 = arith.constant 0 : i32
    %dma_wait3A_219 = tpu.memref_slice %arg3[%dma_wait3A_217, %dma_wait3A_218] : memref<100000x64xf32, #tpu.memory_space<hbm>> -> memref<256x64xf32, #tpu.memory_space<hbm>>
    %dma_wait3A_220 = arith.constant 1024 : i32
    %dma_wait3A_221 = arith.constant 0 : i32
    %dma_wait3A_222 = tpu.memref_slice %arg6[%dma_wait3A_220, %dma_wait3A_221] : memref<1280x64xf32, #tpu.memory_space<vmem>> -> memref<256x64xf32, #tpu.memory_space<vmem>>
    %dma_wait3A_223 = arith.constant 0 : i32
    %dma_wait3A_224 = arith.constant 0 : i32
    %dma_wait3A_225 = tpu.memref_slice %arg3[%dma_wait3A_223, %dma_wait3A_224] : memref<100000x64xf32, #tpu.memory_space<hbm>> -> memref<256x64xf32, #tpu.memory_space<hbm>>
    tpu.wait_dma2 semaphore(%arg16 : memref<!tpu.dma_semaphore, #tpu.memory_space<semaphore_mem>>) src(%dma_wait3A_225 : memref<256x64xf32, #tpu.memory_space<hbm>>) dst(%dma_wait3A_222 : memref<256x64xf32, #tpu.memory_space<vmem>>)
    return
  }
}

</mosaic_0001>

<sc_bundles>
// kernel: kernel.3.cloned.1.call-start
scs
__scs_entry_jumppad:
0x0: {  	(pc) =	sbr.rel $0x88, $3  }
0x1: {  	(tag) =	ssettag $0x0;
	lr =	simm.s32 $0x1  }
0x2: {  	[smem:$0x3F9F] =	sst lr;
	_ =	strace $0xD0000000  }
0x3: {  	_ = 	snop  }
0x4: {  	_ = 	snop  }
0x5: {  	_ = 	snop  }
0x6: {  	_ = 	snop  }
0x7: {  	_ = 	snop  }
__scs_overlays_trampoline_lowered:
0x8: {  	[smem:$0x3FAE] =	sst s0  }
0x9: {  	[smem:$0x3FAF] =	sst s1  }
0xa: {  	[smem:$0x3FB0] =	sst s2  }
0xb: {  	[smem:$0x3FB1] =	sst s3  }
0xc: {  	[smem:$0x3FB2] =	sst s4  }
0xd: {  	[smem:$0x3FB3] =	sst s5  }
0xe: {  	[smem:$0x3FB4] =	sst s6  }
0xf: {  	[smem:$0x3FB5] =	sst s7  }
0x10: {  	[smem:$0x3FB6] =	sst s8  }
0x11: {  	[smem:$0x3FB7] =	sst s9;
	s0 =	simm.s32 @!p0 $0x0  }
0x12: {  	s1 =	sld [smem:$0x3F9D];
	s0 =	simm.s32 @p0 $0x1  }
0x13: {  	[smem:$0x3FB8] =	sst s0;
	s0 =	simm.s32 @!p1 $0x0  }
0x14: {  	s2 =	sld [smem:$0x3F9C];
	s0 =	simm.s32 @p1 $0x1  }
0x15: {  	[smem:$0x3FB9] =	sst s0;
	s0 =	simm.s32 @!p2 $0x0  }
0x16: {  	s3 =	sld [smem:$0x3FDB];
	s0 =	simm.s32 @p2 $0x1  }
0x17: {  	s4 =	simm.s32 $0x1BF5;
	[smem:$0x3FBB] =	sst s0  }
0x18: {  	s0 =	sld [smem:$0x3F9E];
	_ =	swait.ge [sflag:s4], $0x0  }
0x19: {  	s7 =	sld [smem:$0x3F9F]  }
0x1a: {  	s8 =	sadd.s32 $0xFFFFE003, lr  }
0x1b: {  	s9 =	sadd.s32 $0xFFFFFEF7, lr;
	s5 =	simm.s32 $0xFFFFFFFF;
	p2 =	slt.u32 s8, $0xFFFFF086  }
0x1c: {  	p1 =	slt.u32 s9, $0xF7A;
	s5 =	simm.s32 @!p2 $0x0  }
0x1d: {  	s5 =	simm.s32 @p1 $0x1;
	p0 =	seq.s32 s7, s2  }
0x1e: {  	s7 =	smul.u32 @!p0 $0xF7A, s2;
	p2 =	seq.s32 @!p0 s5, $0x0  }
0x1f: {  	s9 =	smul.u32 $0xF7A, s1;
	s8 =	simm.s32 @!p0 $0x1BF5;
	p2 =	por !p2, p0  }
0x20: {  	[sflag:s8] =	ssyncset.s32 @!p0 $0xFFFFF086;
	s6 =	sadd.s32 @!p0 s3, s7;
	s7 =	simm.s32 @!p0 $0x108  }
0x21: {  	s3 =	sadd.s32 s3, s9;
	s6 =	sadd.s32 @!p0 $0x88, s6;
	s7 =	simm.s32 @p2 $0x1082  }
0x22: {  	[simem:s7], [sflag:s8] =	dma.local @!p0 [hbm:s6], $0xF7A  }
0x23: {  	s9 =	sor.u32 $0xD0000000, s2;
	s6 =	simm.s32 $0x108;
	_ =	swait.ge @!p0 [sflag:s8], $0x0  }
0x24: {  	s3 =	sadd.s32 $0x88, s3;
	s6 =	simm.s32 @!p1 $0x1082;
	[sflag:s4] =	ssyncset.s32 $0xFFFFF086  }
0x25: {  	[simem:s6], [sflag:s4] =	dma.local [hbm:s3], $0xF7A  }
0x26: {  	[smem:$0x3F9F] =	sst s1;
	(tag) =	ssettag s2;
	_ =	strace s9  }
0x27: {  	s1 =	sld [smem:$0x3FAF]  }
0x28: {  	s2 =	sld [smem:$0x3FB0]  }
0x29: {  	s4 =	sld [smem:$0x3FB2]  }
0x2a: {  	p0 =	seq.s32 s5, $0x0;
	s5 =	sld [smem:$0x3FB3]  }
0x2b: {  	s6 =	sld [smem:$0x3FB4]  }
0x2c: {  	s7 =	sld [smem:$0x3FB5]  }
0x2d: {  	s3 =	simm.s32 $0x108;
	s8 =	sld [smem:$0x3FB6]  }
0x2e: {  	s3 =	simm.s32 @!p0 $0x1082;
	s9 =	sld [smem:$0x3FB7]  }
0x2f: {  	lr =	sadd.s32 s0, s3;
	s0 =	sld [smem:$0x3FAE]  }
0x30: {  	s3 =	sld [smem:$0x3FB1]  }
0x31: {  	[smem:$0x3FBA] =	sst s10  }
0x32: {  	s10 =	sld [smem:$0x3FB8];
	_ =	sdelay $0x3  }
0x33: {  	p0 =	seq.s32 s10, $0x1;
	s10 =	sld [smem:$0x3FBA];
	_ =	sdelay $0x3  }
0x34: {  	[smem:$0x3FBA] =	sst s10  }
0x35: {  	s10 =	sld [smem:$0x3FB9];
	_ =	sdelay $0x3  }
0x36: {  	p1 =	seq.s32 s10, $0x1;
	s10 =	sld [smem:$0x3FBA];
	_ =	sdelay $0x3  }
0x37: {  	[smem:$0x3FBA] =	sst s10  }
0x38: {  	s10 =	sld [smem:$0x3FBB]  }
0x39: {  	_ = 	snop;
	(pc) =	sbr.ind lr, $3  }
0x3a: {  	_ = 	snop  }
0x3b: {  	_ = 	snop  }
0x3c: {  	p2 =	seq.s32 s10, $0x1;
	s10 =	sld [smem:$0x3FBA]  }
0x3d: {  	_ =	shalt  }
0x3e: {  	_ =	shalt  }
0x3f: {  	_ =	shalt  }
0x40: {  	_ =	shalt  }
0x41: {  	_ =	shalt  }
0x42: {  	_ =	shalt  }
0x43: {  	_ =	shalt  }
0x44: {  	_ =	shalt  }
0x45: {  	_ =	shalt  }
0x46: {  	_ =	shalt  }
0x47: {  	_ =	shalt  }
0x48: {  	_ =	shalt  }
0x49: {  	_ =	shalt  }
0x4a: {  	_ =	shalt  }
0x4b: {  	_ =	shalt  }
0x4c: {  	_ =	shalt  }
0x4d: {  	_ =	shalt  }
0x4e: {  	_ =	shalt  }
0x4f: {  	_ =	shalt  }
0x50: {  	_ =	shalt  }
0x51: {  	_ =	shalt  }
0x52: {  	_ =	shalt  }
0x53: {  	_ =	shalt  }
0x54: {  	_ =	shalt  }
0x55: {  	_ =	shalt  }
0x56: {  	_ =	shalt  }
0x57: {  	_ =	shalt  }
0x58: {  	_ =	shalt  }
0x59: {  	_ =	shalt  }
0x5a: {  	_ =	shalt  }
0x5b: {  	_ =	shalt  }
0x5c: {  	_ =	shalt  }
0x5d: {  	_ =	shalt  }
0x5e: {  	_ =	shalt  }
0x5f: {  	_ =	shalt  }
0x60: {  	_ =	shalt  }
0x61: {  	_ =	shalt  }
0x62: {  	_ =	shalt  }
0x63: {  	_ =	shalt  }
0x64: {  	_ =	shalt  }
0x65: {  	_ =	shalt  }
0x66: {  	_ =	shalt  }
0x67: {  	_ =	shalt  }
0x68: {  	_ =	shalt  }
0x69: {  	_ =	shalt  }
0x6a: {  	_ =	shalt  }
0x6b: {  	_ =	shalt  }
0x6c: {  	_ =	shalt  }
0x6d: {  	_ =	shalt  }
0x6e: {  	_ =	shalt  }
0x6f: {  	_ =	shalt  }
0x70: {  	_ =	shalt  }
0x71: {  	_ =	shalt  }
0x72: {  	_ =	shalt  }
0x73: {  	_ =	shalt  }
0x74: {  	_ =	shalt  }
0x75: {  	_ =	shalt  }
0x76: {  	_ =	shalt  }
0x77: {  	_ =	shalt  }
0x78: {  	_ =	shalt  }
0x79: {  	_ =	shalt  }
0x7a: {  	_ =	shalt  }
0x7b: {  	_ =	shalt  }
0x7c: {  	_ =	shalt  }
0x7d: {  	_ =	shalt  }
0x7e: {  	_ =	shalt  }
0x7f: {  	_ =	shalt  }
0x80: {  	_ =	shalt  }
0x81: {  	_ =	shalt  }
0x82: {  	_ =	shalt  }
0x83: {  	_ =	shalt  }
0x84: {  	_ =	shalt  }
0x85: {  	_ =	shalt  }
0x86: {  	_ =	shalt  }
0x87: {  	_ =	shalt  }
.Lfunc_end0:
.L_simem_size_0:
called_computation.1_lowered:
.L_overlay_start_0:
0x88: {  	s2 =	sld [smem:$0x3FD9]  }
0x89: {  	s3 =	sld [smem:$0x3FFE];
	_ =	sdelay $0x1  }
0x8a: {  	s1 =	srdreg.scid  }
0x8b: {  	s0 =	sand.u32 $0x1, s1  }
0x8c: {  	s16 =	sshll.u32 s0, $0xA;
	s2 =	sadd.s32 s3, s2  }
0x8d: {  	s2 =	sadd.s32 s2, s16  }
0x8e: {  	[smem:$0x3FC6] =	sst s2  }
0x8f: {  	_ = 	snop  }
0x90: {  	(tm) =	ssettm $0x1  }
0x91: {  	s17 =	sld [smem:$0x3FFB];
	_ =	sdelay $0x3  }
0x92: {  	_ =	strace s17  }
0x93: {  	s2 =	sld [smem:$0x3FFC];
	_ =	sdelay $0x3  }
0x94: {  	_ =	strace s2  }
0x95: {  	s2 =	sld [smem:$0x3FFD];
	_ =	sdelay $0x3  }
0x96: {  	_ =	strace s2  }
0x97: {  	_ =	strace $0x8FFFFFFF  }
0x98: {  	s18 =	sld [smem:$0x3FDB];
	_ =	sdelay $0x1  }
0x99: {  	s19 =	simm.s32 $_scs_section_size  }
0x9a: {  	s4 =	simm.s32 $_size__tile_overlayer_lowered;
	s5 =	simm.s32 $_tile_overlayer_lowered  }
0x9b: {  	s22 =	simm.s32 $0x1BFF;
	s21 =	sshll.u32 s5, $0x1;
	s2 =	sadd.s32 s19, s18  }
0x9c: {  	s6 =	simm.s32 $0x0;
	s20 =	sshll.u32 s4, $0x1;
	s4 =	sadd.s32 s21, s2  }
0x9d: {  	[timem:s6], [sflag:s22] =	dma.local [hbm:s4], s20  }
0x9e: {  	_ =	swait.ge [sflag:s22], s20  }
0x9f: {  	s3 =	ssub.s32 $0x0, s20;
	[sflag:s22] =	ssyncset.done $0x0  }
0xa0: {  	[sflag:s22] =	ssyncadd.s32 s3;
	_ =	sdelay $0x1  }
0xa1: {  	s23 =	simm.s32 $0x1B8B  }
0xa2: {  	_ =	swait.ge [sflag:s23], $0x1  }
0xa3: {  	[sflag:s23] =	ssyncset.done $0x0  }
0xa4: {  	s25 =	simm.s32 $0x1B8E;
	s24 =	sld [smem:$0x3FFE];
	[sflag:s23] =	ssyncadd.s32 $0xFFFFFFFF  }
0xa5: {  	s26 =	simm.s32 $execute0_lowered;
	[smem:$0x3FD2] =	sst s25  }
0xa6: {  	s4 =	sshll.u32 s26, $0x1;
	_ =	strace $0x80000046;
	[dreg:$0x1] =	wrdreg $0xFFFFFFFF  }
0xa7: {  	s28 =	simm.s32 $_size_execute0_lowered;
	s2 =	sadd.s32 s2, s4;
	[dreg:$0x0] =	wrdreg $0x0  }
0xa8: {  	s4 =	sshll.u32 s28, $0x1;
	[dreg:$0x2] =	wrdreg s2  }
0xa9: {  	[dreg:$0x3] =	wrdreg s4  }
0xaa: {  	[dreg:$0x4] =	wrdreg $0xC0  }
0xab: {  	_ =	task [dreg:s6], $0x5FFFF  }
0xac: {  	[dreg:$0x1] =	wrdreg $0xFFFFFFFF  }
0xad: {  	[dreg:$0x0] =	wrdreg $0x60  }
0xae: {  	[dreg:$0x2] =	wrdreg s24  }
0xaf: {  	[dreg:$0x3] =	wrdreg $0x9  }
0xb0: {  	_ =	task.clear_ibuf [dreg:s6], $0x4FFFF;
	_ =	strace $0x90000046  }
0xb1: {  	s29 =	simm.s32 $0x9;
	_ =	strace $0x80000048  }
0xb2: {  	_ =	swait.ge [sflag:s29], $0x1  }
0xb3: {  	[sflag:s29] =	ssyncadd.s32 $0xFFFFFFFF  }
0xb4: {  	_ =	strace $0x90000048  }
0xb5: {  	_ =	sfence  }
0xb6: {  	s30 =	sld [smem:$0x0];
	_ =	sdelay $0x2  }
0xb7: {  	s31 =	sshll.u32 s1, $0xD;
	s1 =	sshrl.u32 s1, $0x2  }
0xb8: {  	s3 =	sand.u32 $0x4000, s31;
	s1 =	sadd.s32 s1, s30  }
0xb9: {  	s0 =	sor.u32 s3, s0;
	s1 =	sshll.u32 s1, $0x11  }
0xba: {  	s0 =	sor.u32 s1, s0  }
0xbb: {  	s0 =	sadd.s32 $0x8F2B, s0  }
0xbc: {  	[sflag:s0] =	ssyncadd.remote.s32 $0x1  }
0xbd: {  	_ =	sfence.sel $0xFFFF  }
0xbe: {  	[dreg:$0x0] =	wrdreg $0xFFFFFFFF;
	(pc) =	sbr.abs _section_cstart, $3  }
0xbf: {  	[dreg:$0x1] =	wrdreg $0xFFFFFFFF  }
0xc0: {  	_ =	task.clear_ibuf [dreg:s6], $0x2FFFF;
	_ =	strace $0x9FFFFFFF  }
0xc1: {  	(tm) =	ssettm $0x7FFFFFFF  }
tec
execute0_lowered:
.L_overlay_start_1:
0x0: {  	(tag) =	ssettag $0x1  }
0x1: {  	s0 =	srdreg.scid;
	s9 =	stileid.u32  }
0x2: {  	s2 =	rddreg [dreg:$0x0];
	s4 =	simm.s32 $0x0;
	s28 =	simm.s32 $0x40  }
0x3: {  	s29 =	simm.s32 $0x80;
	s30 =	simm.s32 $0x2;
	s6 =	smul.u32 $0xC800, s9  }
0x4: {  	s0 =	sand.u32 $0x1, s0;
	s1 =	sshll.u32 s9, $0x1;
	s23 =	smul.u32 $0xC8000, s9  }
0x5: {  	s31 =	simm.s32 $0x3;
	s1 =	sor.u32 s0, s1;
	s8 =	smul.u32 $0x6400, s0  }
0x6: {  	[smem:$0x7FF] =	sst s4;
	s5 =	ssub.s32 $0x2, s0;
	s3 =	smul.u32 $0x6400, s1  }
0x7: {  	_ =	strace $0x80000047;
	s1 =	smul.u32 $0x320000, s1;
	s7 =	sshrl.u32 s5, $0x1  }
0x8: {  	s0 =	smul.u32 $0x64000, s0;
	s5 =	ssub.s32 s5, s7;
	s19 =	sadd.s32 s8, s6  }
0x9: {  	s3 =	sshrl.u32 s3, $0x3;
	s1 =	sshrl.u32 s1, $0x3;
	s21 =	sshll.u32 s19, $0x4  }
0xa: {  	s22 =	smax.u32 s5, $0x1;
	s19 =	simm.s32 $0xA400;
	s5 =	simm.s32 $0x0  }
0xb: {  	s15 =	sadd.s32 s3, s2;
	s3 =	sadd.s32 $0x19800, s2;
	s2 =	sadd.s32 $0xDCE00, s2  }
0xc: {  	[dreg:$0x8] =	wrdreg s22;
	s1 =	sadd.s32 s2, s1;
	s4 =	sadd.s32 $0x800, s15  }
0xd: {  	s22 =	simm.s32 $0x7;
	[dreg:$0x2] =	wrdreg s4;
	s16 =	sadd.s32 $0x5F000, s1  }
0xe: {  	s26 =	sadd.s32 s23, s2;
	s17 =	sadd.s32 $0x60000, s1;
	[dreg:$0x3] =	wrdreg s16  }
0xf: {  	s23 =	simm.s32 $0x12400;
	s18 =	sadd.s32 $0x61000, s1;
	[dreg:$0x4] =	wrdreg s17  }
0x10: {  	s20 =	sadd.s32 $0x62000, s1;
	s1 =	sadd.s32 $0x63000, s1;
	[dreg:$0x5] =	wrdreg s18  }
0x11: {  	s15 =	sadd.s32 s0, s26;
	s26 =	simm.s32 $0x1;
	[dreg:$0x6] =	wrdreg s20  }
0x12: {  	s0 =	simm.s32 $0x5;
	s4 =	simm.s32 $0xA;
	[dreg:$0x7] =	wrdreg s1  }
0x13: {  	s1 =	sadd.s32 s21, s2;
	s17 =	simm.s32 $0x100;
	s18 =	simm.s32 $0x6400  }
0x14: {  	s21 =	simm.s32 $0xE400;
	s20 =	simm.s32 $0x6;
	s2 =	simm.s32 $0x9  }
0x15: {  	s24 =	sadd.s32 $0x4000, s1;
	s25 =	sadd.s32 $0x3000, s1;
	s13 =	sadd.s32 $0x2000, s1  }
0x16: {  	s14 =	sadd.s32 $0x1000, s1;
	s1 =	simm.s32 $0x4;
	[dreg:$0x9] =	wrdreg s24  }
0x17: {  	[dreg:$0xa] =	wrdreg s25;
	s25 =	simm.s32 $0x16400;
	s24 =	simm.s32 $0x8  }
.LBB2_1:
0x18: {  	s6 =	simm.s32 $0x0;
	s7 =	rddreg [dreg:$0x2];
	s11 =	simm.s32 $0xB  }
0x19: {  	[tilespmem:s6], [sflag:$0xB] =	stream.linear.gather [hbm4b:s7+s6], $0x6400, $0x38;
	[tilespmem:$0x1A400] =	vst v63  }
0x1a: {  	_ =	swait.ge [sflag:s11], $0x6400  }
0x1b: {  	[sflag:s11] =	ssyncset.done $0x0  }
0x1c: {  	[sflag:s11] =	ssyncadd.s32 $0xFFFF9C00  }
0x1d: {  	[tilespmem:s18], [sflag:$0x1] =	stream.indirect.gather [hbm4b:s3+s17], $0x40, s6, s17, $0xb8;
	[tilespmem:$0x1A400] =	vst v63  }
0x1e: {  	_ = 	snop  }
0x1f: {  	[tilespmem:s19], [sflag:$0x2] =	stream.indirect.gather [hbm4b:s3+s17], $0x40, s17, s17, $0xb8;
	[tilespmem:$0x1A400] =	vst v63  }
0x20: {  	s12 =	simm.s32 $0x200  }
0x21: {  	[tilespmem:s21], [sflag:$0x3] =	stream.indirect.gather [hbm4b:s3+s17], $0x40, s12, s17, $0xb8;
	[tilespmem:$0x1A400] =	vst v63  }
0x22: {  	s16 =	simm.s32 $0x300  }
0x23: {  	[tilespmem:s23], [sflag:$0x4] =	stream.indirect.gather [hbm4b:s3+s17], $0x40, s16, s17, $0xb8;
	[tilespmem:$0x1A400] =	vst v63  }
0x24: {  	s7 =	simm.s32 $0x400  }
0x25: {  	[tilespmem:s25], [sflag:$0x5] =	stream.indirect.gather [hbm4b:s3+s17], $0x40, s7, s17, $0xb8;
	[tilespmem:$0x1A400] =	vst v63  }
0x26: {  	_ =	swait.ge [sflag:s26], $0x4000  }
0x27: {  	[sflag:s26] =	ssyncset.done $0x0  }
0x28: {  	[sflag:s26] =	ssyncadd.s32 $0xFFFFC000  }
0x29: {  	[hbm4b:s15+s28] =	stream.strided.scatter [tilespmem:s18], [sflag:$0x6], $0x4000, s29, s28, $0x38;
	[tilespmem:$0x1A400] =	vst v63  }
0x2a: {  	_ =	swait.ge [sflag:s30], $0x4000  }
0x2b: {  	[sflag:s30] =	ssyncset.done $0x0  }
0x2c: {  	[sflag:s30] =	ssyncadd.s32 $0xFFFFC000  }
0x2d: {  	[hbm4b:s14+s28] =	stream.strided.scatter [tilespmem:s19], [sflag:$0x7], $0x4000, s29, s28, $0x38;
	[tilespmem:$0x1A400] =	vst v63  }
0x2e: {  	_ =	swait.ge [sflag:s31], $0x4000  }
0x2f: {  	[sflag:s31] =	ssyncset.done $0x0  }
0x30: {  	[sflag:s31] =	ssyncadd.s32 $0xFFFFC000  }
0x31: {  	[hbm4b:s13+s28] =	stream.strided.scatter [tilespmem:s21], [sflag:$0x8], $0x4000, s29, s28, $0x38;
	[tilespmem:$0x1A400] =	vst v63  }
0x32: {  	_ =	swait.ge [sflag:s1], $0x4000  }
0x33: {  	[sflag:s1] =	ssyncset.done $0x0  }
0x34: {  	s9 =	rddreg [dreg:$0xa];
	[sflag:s1] =	ssyncadd.s32 $0xFFFFC000  }
0x35: {  	[hbm4b:s9+s28] =	stream.strided.scatter [tilespmem:s23], [sflag:$0x9], $0x4000, s29, s28, $0x38;
	[tilespmem:$0x1A400] =	vst v63  }
0x36: {  	_ =	swait.ge [sflag:s0], $0x4000  }
0x37: {  	[sflag:s0] =	ssyncset.done $0x0  }
0x38: {  	s12 =	rddreg [dreg:$0x9];
	[sflag:s0] =	ssyncadd.s32 $0xFFFFC000  }
0x39: {  	[hbm4b:s12+s28] =	stream.strided.scatter [tilespmem:s25], [sflag:$0xA], $0x4000, s29, s28, $0x38;
	[tilespmem:$0x1A400] =	vst v63  }
0x3a: {  	_ =	swait.ge [sflag:s20], $0x4000  }
0x3b: {  	[sflag:s20] =	ssyncset.done $0x0  }
0x3c: {  	s8 =	simm.s32 $0x500;
	[sflag:s20] =	ssyncadd.s32 $0xFFFFC000  }
0x3d: {  	[tilespmem:s18], [sflag:$0x1] =	stream.indirect.gather [hbm4b:s3+s17], $0x40, s8, s17, $0xb8;
	[tilespmem:$0x1A400] =	vst v63  }
0x3e: {  	_ =	swait.ge [sflag:s22], $0x4000  }
0x3f: {  	[sflag:s22] =	ssyncset.done $0x0  }
0x40: {  	s10 =	simm.s32 $0x600;
	[sflag:s22] =	ssyncadd.s32 $0xFFFFC000  }
0x41: {  	[tilespmem:s19], [sflag:$0x2] =	stream.indirect.gather [hbm4b:s3+s17], $0x40, s10, s17, $0xb8;
	[tilespmem:$0x1A400] =	vst v63  }
0x42: {  	_ =	swait.ge [sflag:s24], $0x4000  }
0x43: {  	[sflag:s24] =	ssyncset.done $0x0  }
0x44: {  	s11 =	simm.s32 $0x700;
	[sflag:s24] =	ssyncadd.s32 $0xFFFFC000  }
0x45: {  	[tilespmem:s21], [sflag:$0x3] =	stream.indirect.gather [hbm4b:s3+s17], $0x40, s11, s17, $0xb8;
	[tilespmem:$0x1A400] =	vst v63  }
0x46: {  	_ =	swait.ge [sflag:s2], $0x4000  }
0x47: {  	[sflag:s2] =	ssyncset.done $0x0  }
0x48: {  	s6 =	simm.s32 $0x1400;
	s16 =	simm.s32 $0x800;
	[sflag:s2] =	ssyncadd.s32 $0xFFFFC000  }
0x49: {  	[tilespmem:s23], [sflag:$0x4] =	stream.indirect.gather [hbm4b:s3+s17], $0x40, s16, s17, $0xb8;
	[tilespmem:$0x1A400] =	vst v63  }
0x4a: {  	s7 =	sadd.s32 $0x5000, s14;
	s9 =	sadd.s32 $0x5000, s9;
	_ =	swait.ge [sflag:s4], $0x4000  }
0x4b: {  	s8 =	sadd.s32 $0x5000, s15;
	s10 =	sadd.s32 $0x5000, s13;
	[sflag:s4] =	ssyncset.done $0x0  }
0x4c: {  	s11 =	simm.s32 $0x900;
	s16 =	sadd.s32 $0x5000, s12;
	[sflag:s4] =	ssyncadd.s32 $0xFFFFC000  }
.LBB2_2:
0x4d: {  	[tilespmem:s25], [sflag:$0x5] =	stream.indirect.gather [hbm4b:s3+s17], $0x40, s11, s17, $0xb8;
	[tilespmem:$0x1A400] =	vst v63  }
0x4e: {  	s11 =	smov.u32 s6  }
0x4f: {  	p0 =	sne.s32 s6, $0x16800;
	s6 =	sadd.s32 $0x1400, s6;
	_ =	swait.ge [sflag:s26], $0x4000  }
0x50: {  	[sflag:s26] =	ssyncset.done $0x0  }
0x51: {  	[sflag:s26] =	ssyncadd.s32 $0xFFFFC000  }
0x52: {  	[hbm4b:s8+s28] =	stream.strided.scatter [tilespmem:s18], [sflag:$0x6], $0x4000, s29, s28, $0x38;
	[tilespmem:$0x1A400] =	vst v63  }
0x53: {  	_ =	swait.ge [sflag:s30], $0x4000  }
0x54: {  	[sflag:s30] =	ssyncset.done $0x0  }
0x55: {  	[sflag:s30] =	ssyncadd.s32 $0xFFFFC000  }
0x56: {  	[hbm4b:s7+s28] =	stream.strided.scatter [tilespmem:s19], [sflag:$0x7], $0x4000, s29, s28, $0x38;
	[tilespmem:$0x1A400] =	vst v63  }
0x57: {  	_ =	swait.ge [sflag:s31], $0x4000  }
0x58: {  	[sflag:s31] =	ssyncset.done $0x0  }
0x59: {  	[sflag:s31] =	ssyncadd.s32 $0xFFFFC000  }
0x5a: {  	[hbm4b:s10+s28] =	stream.strided.scatter [tilespmem:s21], [sflag:$0x8], $0x4000, s29, s28, $0x38;
	[tilespmem:$0x1A400] =	vst v63  }
0x5b: {  	_ =	swait.ge [sflag:s1], $0x4000  }
0x5c: {  	[sflag:s1] =	ssyncset.done $0x0  }
0x5d: {  	[sflag:s1] =	ssyncadd.s32 $0xFFFFC000  }
0x5e: {  	[hbm4b:s9+s28] =	stream.strided.scatter [tilespmem:s23], [sflag:$0x9], $0x4000, s29, s28, $0x38;
	[tilespmem:$0x1A400] =	vst v63  }
0x5f: {  	_ =	swait.ge [sflag:s0], $0x4000  }
0x60: {  	[sflag:s0] =	ssyncset.done $0x0  }
0x61: {  	[sflag:s0] =	ssyncadd.s32 $0xFFFFC000  }
0x62: {  	[hbm4b:s16+s28] =	stream.strided.scatter [tilespmem:s25], [sflag:$0xA], $0x4000, s29, s28, $0x38;
	[tilespmem:$0x1A400] =	vst v63  }
0x63: {  	_ =	swait.ge [sflag:s20], $0x4000  }
0x64: {  	s11 =	sshra.s32 s11, $0x2;
	[sflag:s20] =	ssyncset.done $0x0  }
0x65: {  	s12 =	sadd.s32 $0x500, s11;
	[sflag:s20] =	ssyncadd.s32 $0xFFFFC000  }
0x66: {  	[tilespmem:s18], [sflag:$0x1] =	stream.indirect.gather [hbm4b:s3+s17], $0x40, s12, s17, $0xb8;
	[tilespmem:$0x1A400] =	vst v63  }
0x67: {  	_ =	swait.ge [sflag:s22], $0x4000  }
0x68: {  	[sflag:s22] =	ssyncset.done $0x0  }
0x69: {  	s12 =	sadd.s32 $0x600, s11;
	[sflag:s22] =	ssyncadd.s32 $0xFFFFC000  }
0x6a: {  	[tilespmem:s19], [sflag:$0x2] =	stream.indirect.gather [hbm4b:s3+s17], $0x40, s12, s17, $0xb8;
	[tilespmem:$0x1A400] =	vst v63  }
0x6b: {  	_ =	swait.ge [sflag:s24], $0x4000  }
0x6c: {  	[sflag:s24] =	ssyncset.done $0x0  }
0x6d: {  	s12 =	sadd.s32 $0x700, s11;
	[sflag:s24] =	ssyncadd.s32 $0xFFFFC000  }
0x6e: {  	[tilespmem:s21], [sflag:$0x3] =	stream.indirect.gather [hbm4b:s3+s17], $0x40, s12, s17, $0xb8;
	[tilespmem:$0x1A400] =	vst v63  }
0x6f: {  	_ =	swait.ge [sflag:s2], $0x4000  }
0x70: {  	[sflag:s2] =	ssyncset.done $0x0  }
.Ltmp0:
0x71: {  	s12 =	sadd.s32 $0x800, s11;
	[sflag:s2] =	ssyncadd.s32 $0xFFFFC000;
	(pc) =	sbr.rel @p0 .LBB2_2-.Ltmp0, $4  }
0x72: {  	[tilespmem:s23], [sflag:$0x4] =	stream.indirect.gather [hbm4b:s3+s17], $0x40, s12, s17, $0xb8;
	[tilespmem:$0x1A400] =	vst v63  }
0x73: {  	s8 =	sadd.s32 $0x5000, s8;
	s7 =	sadd.s32 $0x5000, s7;
	_ =	swait.ge [sflag:s4], $0x4000  }
0x74: {  	s10 =	sadd.s32 $0x5000, s10;
	s9 =	sadd.s32 $0x5000, s9;
	[sflag:s4] =	ssyncset.done $0x0  }
0x75: {  	s16 =	sadd.s32 $0x5000, s16;
	s11 =	sadd.s32 $0x900, s11;
	[sflag:s4] =	ssyncadd.s32 $0xFFFFC000  }
0x76: {  	[tilespmem:s25], [sflag:$0x5] =	stream.indirect.gather [hbm4b:s3+s17], $0x40, s11, s17, $0xb8;
	[tilespmem:$0x1A400] =	vst v63  }
0x77: {  	_ =	swait.ge [sflag:s26], $0x4000  }
0x78: {  	[sflag:s26] =	ssyncset.done $0x0  }
0x79: {  	s6 =	rddreg [dreg:$0x3];
	[sflag:s26] =	ssyncadd.s32 $0xFFFFC000  }
0x7a: {  	[hbm4b:s6+s28] =	stream.strided.scatter [tilespmem:s18], [sflag:$0x6], $0x4000, s29, s28, $0x38;
	[tilespmem:$0x1A400] =	vst v63  }
0x7b: {  	_ =	swait.ge [sflag:s30], $0x4000  }
0x7c: {  	[sflag:s30] =	ssyncset.done $0x0  }
0x7d: {  	s9 =	rddreg [dreg:$0x4];
	[sflag:s30] =	ssyncadd.s32 $0xFFFFC000  }
0x7e: {  	[hbm4b:s9+s28] =	stream.strided.scatter [tilespmem:s19], [sflag:$0x7], $0x4000, s29, s28, $0x38;
	[tilespmem:$0x1A400] =	vst v63  }
0x7f: {  	_ =	swait.ge [sflag:s31], $0x4000  }
0x80: {  	[sflag:s31] =	ssyncset.done $0x0  }
0x81: {  	s10 =	rddreg [dreg:$0x5];
	[sflag:s31] =	ssyncadd.s32 $0xFFFFC000  }
0x82: {  	[hbm4b:s10+s28] =	stream.strided.scatter [tilespmem:s21], [sflag:$0x8], $0x4000, s29, s28, $0x38;
	[tilespmem:$0x1A400] =	vst v63  }
0x83: {  	_ =	swait.ge [sflag:s1], $0x4000  }
0x84: {  	[sflag:s1] =	ssyncset.done $0x0  }
0x85: {  	s11 =	rddreg [dreg:$0x6];
	[sflag:s1] =	ssyncadd.s32 $0xFFFFC000  }
0x86: {  	[hbm4b:s11+s28] =	stream.strided.scatter [tilespmem:s23], [sflag:$0x9], $0x4000, s29, s28, $0x38;
	[tilespmem:$0x1A400] =	vst v63  }
0x87: {  	_ =	swait.ge [sflag:s0], $0x4000  }
0x88: {  	[sflag:s0] =	ssyncset.done $0x0  }
0x89: {  	s12 =	rddreg [dreg:$0x7];
	[sflag:s0] =	ssyncadd.s32 $0xFFFFC000  }
0x8a: {  	[hbm4b:s12+s28] =	stream.strided.scatter [tilespmem:s25], [sflag:$0xA], $0x4000, s29, s28, $0x38;
	[tilespmem:$0x1A400] =	vst v63  }
0x8b: {  	_ =	swait.ge [sflag:s20], $0x4000  }
0x8c: {  	[sflag:s20] =	ssyncset.done $0x0  }
0x8d: {  	[sflag:s20] =	ssyncadd.s32 $0xFFFFC000  }
0x8e: {  	_ =	swait.ge [sflag:s22], $0x4000  }
0x8f: {  	[sflag:s22] =	ssyncset.done $0x0  }
0x90: {  	[sflag:s22] =	ssyncadd.s32 $0xFFFFC000  }
0x91: {  	_ =	swait.ge [sflag:s24], $0x4000  }
0x92: {  	[sflag:s24] =	ssyncset.done $0x0  }
0x93: {  	[sflag:s24] =	ssyncadd.s32 $0xFFFFC000  }
0x94: {  	_ =	swait.ge [sflag:s2], $0x4000  }
0x95: {  	[sflag:s2] =	ssyncset.done $0x0  }
0x96: {  	[sflag:s2] =	ssyncadd.s32 $0xFFFFC000  }
0x97: {  	_ =	swait.ge [sflag:s4], $0x4000  }
0x98: {  	s5 =	sadd.s32 $0x1, s5;
	s16 =	rddreg [dreg:$0x8]  }
0x99: {  	p0 =	sne.s32 s5, s16  }
.Ltmp1:
0x9a: {  	_ = 	snop;
	(pc) =	sbr.rel @p0 .LBB2_1-.Ltmp1, $3  }
0x9b: {  	_ =	sdelay $0x1  }
0x9c: {  	[sflag:s4] =	ssyncset.done $0x0  }
0x9d: {  	[sflag:s4] =	ssyncadd.s32 $0xFFFFC000  }
0x9e: {  	_ =	sfence.sel $0x180000  }
0x9f: {  	[bflag:$0x0] =	sbarrier.arrive $0xFFFF  }
0xa0: {  	_ =	strace $0x90000047  }
0xa1: {  	s0 =	stileid.u32;
	[bflag:$0x2] =	sbarrier.arrive $0xFFFF  }
0xa2: {  	p0 =	sne.s32 s0, $0x0;
	s0 =	rddreg [dreg:$0x1]  }
0xa3: {  	s0 =	sadd.s32 @!p0 $0x100000, s0  }
0xa4: {  	[sflag:s0] =	ssyncadd.tile.s32 @!p0 $0x1;
	_ =	shalt  }
.Lfunc_end2:
_tile_overlayer_lowered:
.L_overlay_start_2:
0xa5: {  	(tag) =	ssettag $0x2  }
0xa6: {  	s0 =	rddreg [dreg:$0x0];
	s2 =	stileid.u32  }
0xa7: {  	s1 =	rddreg [dreg:$0x1];
	p0 =	sne.s32 s2, $0x0  }
0xa8: {  	s3 =	rddreg [dreg:$0x2];
	[bflag:$0x3] =	sbarrier.arrive $0xFFFF;
	s2 =	simm.s32 @!p0 $0x1C0B  }
0xa9: {  	[timem:s3], [sflag:s2] =	dma.local @!p0 [hbm:s0], s1  }
0xaa: {  	s0 =	simm.s32 @!p0 $0xB  }
0xab: {  	_ =	swait.ge @!p0 [sflag:s0], s1  }
0xac: {  	s1 =	ssub.s32 @!p0 $0x0, s1;
	[sflag:s0] =	ssyncset.done @!p0 $0x0  }
0xad: {  	[sflag:s0] =	ssyncadd.s32 @!p0 s1  }
0xae: {  	[bflag:$0x3] =	sbarrier.arrive $0xFFFF  }
0xaf: {  	_ =	shalt  }

// kernel: sparse-core-data-format-call.cloned.1.call-start
scs
called_computation_lowered:
.L_overlay_start_0:
0x0: {  	s2 =	sld [smem:$0x3FD9]  }
0x1: {  	s3 =	sld [smem:$0x3FFE];
	_ =	sdelay $0x1  }
0x2: {  	s1 =	srdreg.scid  }
0x3: {  	s0 =	sand.u32 $0x1, s1  }
0x4: {  	s18 =	sshll.u32 s0, $0xA;
	s2 =	sadd.s32 s3, s2  }
0x5: {  	s2 =	sadd.s32 s2, s18  }
0x6: {  	[smem:$0x3FC6] =	sst s2  }
0x7: {  	_ = 	snop  }
0x8: {  	s2 =	sld [smem:$0x3FD0];
	(tm) =	ssettm $0x1  }
0x9: {  	s19 =	sld [smem:$0x3FFB];
	_ =	sdelay $0x3  }
0xa: {  	_ =	strace s19  }
0xb: {  	s3 =	sld [smem:$0x3FFC];
	_ =	sdelay $0x3  }
0xc: {  	_ =	strace s3  }
0xd: {  	s3 =	sld [smem:$0x3FFD];
	_ =	sdelay $0x3  }
0xe: {  	_ =	strace s3  }
0xf: {  	_ =	strace $0x8FFFFFFF  }
0x10: {  	s20 =	sld [smem:$0x3FDB];
	_ =	sdelay $0x1  }
0x11: {  	s4 =	simm.s32 $_scs_section_size  }
0x12: {  	s5 =	simm.s32 $_size__tile_overlayer_lowered;
	s6 =	simm.s32 $_tile_overlayer_lowered  }
0x13: {  	s23 =	simm.s32 $0x1BFF;
	s22 =	sshll.u32 s6, $0x1;
	s3 =	sadd.s32 s4, s20  }
0x14: {  	s7 =	simm.s32 $0x0;
	s21 =	sshll.u32 s5, $0x1;
	s5 =	sadd.s32 s22, s3  }
0x15: {  	[timem:s7], [sflag:s23] =	dma.local [hbm:s5], s21  }
0x16: {  	_ =	swait.ge [sflag:s23], s21  }
0x17: {  	s4 =	ssub.s32 $0x0, s21;
	[sflag:s23] =	ssyncset.done $0x0  }
0x18: {  	[sflag:s23] =	ssyncadd.s32 s4;
	_ =	sdelay $0x1  }
0x19: {  	s24 =	simm.s32 $0x1B8B  }
0x1a: {  	_ =	swait.ge [sflag:s24], $0x1  }
0x1b: {  	[sflag:s24] =	ssyncset.done $0x0  }
0x1c: {  	s26 =	simm.s32 $0x1B8E;
	s25 =	sld [smem:$0x3FFE];
	[sflag:s24] =	ssyncadd.s32 $0xFFFFFFFF  }
0x1d: {  	s27 =	simm.s32 $execute0_lowered;
	[smem:$0x3FD2] =	sst s26  }
0x1e: {  	s5 =	sshll.u32 s27, $0x1;
	_ =	strace $0x80000049;
	[dreg:$0x1] =	wrdreg $0xFFFFFFFF  }
0x1f: {  	s28 =	simm.s32 $_size_execute0_lowered;
	s3 =	sadd.s32 s3, s5;
	[dreg:$0x0] =	wrdreg $0x0  }
0x20: {  	s5 =	sshll.u32 s28, $0x1;
	[dreg:$0x2] =	wrdreg s3  }
0x21: {  	[dreg:$0x3] =	wrdreg s5  }
0x22: {  	[dreg:$0x4] =	wrdreg $0xC0  }
0x23: {  	_ =	task [dreg:s7], $0x5FFFF  }
0x24: {  	[dreg:$0x1] =	wrdreg $0xFFFFFFFF  }
0x25: {  	[dreg:$0x0] =	wrdreg $0x60  }
0x26: {  	[dreg:$0x2] =	wrdreg s25  }
0x27: {  	[dreg:$0x3] =	wrdreg s2  }
0x28: {  	[dreg:$0x4] =	wrdreg $0x9  }
0x29: {  	_ =	task.clear_ibuf [dreg:s7], $0x5FFFF;
	_ =	strace $0x90000049  }
0x2a: {  	s29 =	simm.s32 $0x9;
	_ =	strace $0x8000004B  }
0x2b: {  	_ =	swait.ge [sflag:s29], $0x1  }
0x2c: {  	[sflag:s29] =	ssyncadd.s32 $0xFFFFFFFF  }
0x2d: {  	_ =	strace $0x9000004B  }
0x2e: {  	_ =	sfence  }
0x2f: {  	s30 =	sld [smem:$0x0];
	_ =	sdelay $0x2  }
0x30: {  	s31 =	sshll.u32 s1, $0xD;
	s1 =	sshrl.u32 s1, $0x2  }
0x31: {  	s3 =	sand.u32 $0x4000, s31;
	s1 =	sadd.s32 s1, s30  }
0x32: {  	s0 =	sor.u32 s3, s0;
	s1 =	sshll.u32 s1, $0x11  }
0x33: {  	s0 =	sor.u32 s1, s0  }
0x34: {  	s0 =	sadd.s32 $0x8F2B, s0  }
0x35: {  	[sflag:s0] =	ssyncadd.remote.s32 $0x1  }
0x36: {  	_ =	sfence.sel $0xFFFF  }
0x37: {  	[dreg:$0x0] =	wrdreg $0xFFFFFFFF;
	(pc) =	sbr.abs _section_cstart, $3  }
0x38: {  	[dreg:$0x1] =	wrdreg $0xFFFFFFFF  }
0x39: {  	_ =	task.clear_ibuf [dreg:s7], $0x2FFFF;
	_ =	strace $0x9FFFFFFF  }
0x3a: {  	(tm) =	ssettm $0x7FFFFFFF  }
0x3b: {  	_ =	shalt  }
tec
execute0_lowered:
.L_overlay_start_1:
0x0: {  	(tag) =	ssettag $0x1  }
0x1: {  	s0 =	srdreg.scid  }
0x2: {  	s1 =	sshll.u32 s0, $0x4  }
0x3: {  	s0 =	stileid.u32;
	s1 =	sand.u32 $0x10, s1  }
0x4: {  	s1 =	sor.u32 s0, s1  }
0x5: {  	s6 =	rddreg [dreg:$0x0];
	s4 =	simm.s32 $0x1;
	s2 =	sshll.u32 s1, $0x7  }
0x6: {  	s7 =	simm.s32 $0x2;
	s12 =	simm.s32 $0x0;
	s1 =	ssub.s32 $0x1000, s2  }
0x7: {  	s8 =	simm.s32 $0x8000;
	s13 =	simm.s32 $0x0;
	s3 =	sand.u32 $0xF80, s1  }
0x8: {  	s9 =	simm.s32 $0x0;
	s5 =	sshrl.u32 s1, $0xC;
	p0 =	sne.s32 s3, $0x0  }
.Ltmp0:
0x9: {  	s1 =	rddreg [dreg:$0x2];
	s4 =	simm.s32 @!p0 $0x0;
	(pc) =	sbr.rel .LBB1_1-.Ltmp0, $4  }
0xa: {  	s11 =	simm.s32 $0x0;
	s3 =	rddreg [dreg:$0x1];
	s5 =	sadd.s32 s4, s5  }
0xb: {  	_ =	strace $0x8000004A;
	s4 =	simm.s32 $0x1;
	s5 =	smul.u32 $0xC8, s5  }
0xc: {  	s6 =	sadd.s32 $0xDCE00, s6;
	s10 =	smov.u32 s2;
	[sflag:s4] =	ssyncpa.u1 $0x0  }
0xd: {  	p0 =	por $0x0, $0x0;
	[sflag:s7] =	ssyncpa.u1 $0x0;
	s7 =	sor.u32 $0x1, s5  }
.LBB1_4:
0xe: {  	s16 =	sshll.u32 s13, $0x3;
	s17 =	sand.u32 $0x78, s13  }
0xf: {  	s30 =	sand.u32 $0x7E00, s13;
	s12 =	sshll.u32 s12, $0xF;
	s16 =	sand.u32 $0xC00, s16  }
0x10: {  	[tilespmem:s15+$0x810 ss:$0x81] =	vst.msk $0xffff, v2;
	s31 =	sand.u32 $0x7, s13;
	s16 =	sor.u32 s17, s16;
	s17 =	sadd.s32 s3, s30  }
0x11: {  	[tilespmem:s15+$0x1020 ss:$0x81] =	vst.msk $0xffff, v0;
	s13 =	sshll.u32 s31, $0x12;
	s12 =	sadd.s32 s12, s17;
	s16 =	sshrl.u32 s16, $0x3  }
0x12: {  	[tilespmem:s15+$0x0 ss:$0x81] =	vst.msk $0xffff, v1;
	s13 =	sor.u32 $0x400, s13;
	s12 =	sadd.s32 s16, s12  }
0x13: {  	[hbm4b:s12+s13] =	stream.strided.scatter [tilespmem:s14], [sflag:$0x2], $0x2000, s8, s13, $0x20;
	[tilespmem:$0x8080] =	vst v63  }
.LBB1_5:
0x14: {  	s14 =	sadd.s32 $0x1, s9  }
0x15: {  	s12 =	sadd.s32 $0x1000, s10;
	s16 =	smov.u32 s10;
	p2 =	sgt.s32 s14, $0xC7  }
0x16: {  	s16 =	smov.u32 @p2 s12  }
0x17: {  	s14 =	simm.s32 @p2 $0x0;
	p2 =	sgt.s32 s16, $0xFFF  }
0x18: {  	s16 =	smov.u32 @p2 s2;
	p2 =	sne.s32 s11, s7  }
.Ltmp1:
0x19: {  	p1 =	slt.u32 s11, $0x2;
	(pc) =	sbr.rel @!p2 .LBB1_6-.Ltmp1, $4  }
0x1a: {  	s15 =	simm.s32 @!p1 $0x2  }
0x1b: {  	s13 =	smov.u32 s10;
	p0 =	por !p0, !p0;
	_ =	swait.ge @!p1 [sflag:s15], $0x2000  }
0x1c: {  	s12 =	smov.u32 s9;
	[sflag:s15] =	ssyncset.done @!p1 $0x0;
	s9 =	smov.u32 s14  }
0x1d: {  	s11 =	sadd.s32 $0x1, s11;
	[sflag:s15] =	ssyncadd.s32 @!p1 $0xFFFFE000;
	s10 =	smov.u32 s16  }
.LBB1_1:
0x1e: {  	p1 =	sge.u32 s11, s5  }
0x1f: {  	s14 =	sand.u32 @!p1 $0x1FFFFFF, s9  }
0x20: {  	s15 =	smulhi.u32 @!p1 $0x147AE15, s14;
	_ =	sdelay $0x1  }
0x21: {  	s15 =	smul.u32 @!p1 $0xC8, s15  }
0x22: {  	s16 =	sxor.u32 @!p1 $0xFFFFFFFF, s11;
	s17 =	smul.u32 @!p1 $0xC80, s10  }
0x23: {  	s31 =	sadd.s32 $0xFFFFFFFF, s11;
	s16 =	sshll.u32 @!p1 s16, $0xD;
	s14 =	ssub.s32 @!p1 s14, s15  }
0x24: {  	s15 =	sand.u32 @!p1 $0x2000, s16;
	s16 =	sadd.s32 @!p1 s6, s17;
	s14 =	sshll.u32 @!p1 s14, $0x4  }
0x25: {  	s17 =	simm.s32 @!p1 $0x6400;
	s14 =	sadd.s32 @!p1 s14, s16;
	s16 =	simm.s32 @!p1 $0x40  }
0x26: {  	[tilespmem:s15], [sflag:$0x1] =	stream.strided.gather @!p1 [hbm4b:s14+s16], $0x2000, s17, s16, $0x38;
	[tilespmem:$0x8080] =	vst v63  }
0x27: {  	p1 =	sge.u32 s31, s5  }
.Ltmp2:
0x28: {  	_ = 	snop;
	(pc) =	sbr.rel @p1 .LBB1_5-.Ltmp2, $1  }
0x29: {  	_ =	sdelay $0x3  }
0x2a: {  	s14 =	simm.s32 $0x1  }
0x2b: {  	_ =	swait.ge [sflag:s4], $0x2000;
	s14 =	simm.s32 @!p0 $0x0  }
0x2c: {  	[sflag:s4] =	ssyncset.done $0x0;
	s15 =	sshll.u32 s14, $0xD  }
0x2d: {  	[sflag:s4] =	ssyncadd.s32 $0xFFFFE000;
	s18 =	sor.u32 $0x20, s15  }
0x2e: {  	s14 =	smul.u32 $0x8100, s14;
	v3 =	vld [tilespmem:s18+$0x10]  }
0x2f: {  	s30 =	sand.u32 $0x1, s11;
	v2 =	vld [tilespmem:s18+$0xFFFFFFF0]  }
0x30: {  	s15 =	smul.u32 $0x8100, s30;
	s14 =	sshrl.u32 s14, $0x2;
	v0 =	vld [tilespmem:s18+$0x0]  }
0x31: {  	v1 =	vld [tilespmem:s18+$0xFFFFFFE0];
	s16 =	sor.u32 $0x4000, s14  }
0x32: {  	s31 =	sshrl.u32 s15, $0x2;
	s15 =	sadd.s32 $0x0, s16  }
0x33: {  	s17 =	simm.s32 $0x4;
	s18 =	sadd.s32 $0x40, s18;
	s14 =	sor.u32 $0x4000, s31;
	[tilespmem:s15+$0x1830 ss:$0x81] =	vst.msk $0xffff, v3  }
.LBB1_3:
0x34: {  	v3 =	vld [tilespmem:s18+$0x10];
	p1 =	sne.s32 s17, $0x1FC;
	[tilespmem:s15+$0x810 ss:$0x81] =	vst.msk $0xffff, v2;
	s19 =	smov.u32 s17;
	s17 =	sadd.s32 $0x4, s17  }
.Ltmp3:
0x35: {  	v2 =	vld [tilespmem:s18+$0xFFFFFFF0];
	[tilespmem:s15+$0x1020 ss:$0x81] =	vst.msk $0xffff, v0;
	(pc) =	sbr.rel @p1 .LBB1_3-.Ltmp3, $4  }
0x36: {  	v0 =	vld [tilespmem:s18+$0x0];
	[tilespmem:s15+$0x0 ss:$0x81] =	vst.msk $0xffff, v1  }
0x37: {  	s15 =	sshra.s32 s19, $0x2;
	v1 =	vld [tilespmem:s18+$0xFFFFFFE0]  }
0x38: {  	s15 =	sadd.s32 s15, s16  }
0x39: {  	s18 =	sadd.s32 $0x40, s18;
	[tilespmem:s15+$0x1830 ss:$0x81] =	vst.msk $0xffff, v3  }
.Ltmp4:
0x3a: {  	_ = 	snop;
	(pc) =	sbr.rel .LBB1_4-.Ltmp4, $1  }
0x3b: {  	_ =	sdelay $0x3  }
.LBB1_6:
0x3c: {  	_ =	sfence.sel $0x180000  }
0x3d: {  	s2 =	simm.s32 $0x1;
	[bflag:$0x0] =	sbarrier.arrive $0xFFFF  }
0x3e: {  	s31 =	simm.s32 $0x2;
	[sflag:s2] =	ssyncpa.u1 $0x1  }
0x3f: {  	[sflag:s31] =	ssyncpa.u1 $0x1  }
0x40: {  	p0 =	sne.s32 s0, $0x0;
	_ =	strace $0x9000004A  }
0x41: {  	s0 =	sadd.s32 @!p0 $0x100000, s1;
	[bflag:$0x2] =	sbarrier.arrive $0xFFFF  }
0x42: {  	[sflag:s0] =	ssyncadd.tile.s32 @!p0 $0x1;
	_ =	shalt  }
.Lfunc_end1:
_tile_overlayer_lowered:
.L_overlay_start_2:
0x43: {  	(tag) =	ssettag $0x2  }
0x44: {  	s0 =	rddreg [dreg:$0x0];
	s2 =	stileid.u32  }
0x45: {  	s1 =	rddreg [dreg:$0x1];
	p0 =	sne.s32 s2, $0x0  }
0x46: {  	s3 =	rddreg [dreg:$0x2];
	[bflag:$0x3] =	sbarrier.arrive $0xFFFF;
	s2 =	simm.s32 @!p0 $0x1C01  }
0x47: {  	[timem:s3], [sflag:s2] =	dma.local @!p0 [hbm:s0], s1  }
0x48: {  	s0 =	simm.s32 @!p0 $0x1  }
0x49: {  	_ =	swait.ge @!p0 [sflag:s0], s1  }
0x4a: {  	s1 =	ssub.s32 @!p0 $0x0, s1;
	[sflag:s0] =	ssyncset.done @!p0 $0x0  }
0x4b: {  	[sflag:s0] =	ssyncadd.s32 @!p0 s1  }
0x4c: {  	[bflag:$0x3] =	sbarrier.arrive $0xFFFF  }
0x4d: {  	_ =	shalt  }

</sc_bundles>
